<compile_context>
chip_gen: v7x
topology: tpu7x:2x2x1
jax: 0.10.2.dev20260603
libtpu: 0.0.44.dev20260713+nightly
codegen_flags: <defaults>
</compile_context>

<pallas_src>
import jax
import jax.numpy as jnp
import numpy as np
from jax import lax
from jax.experimental import pallas as pl
from jax.experimental.pallas import tpu as pltpu
from jax.experimental.pallas import tpu_sc as plsc

N = 10000
E = 320000
D = 128
C = 40
CP = 48

NC = 2
NS = 16
NW = NC * NS
K = 128
EP = 327680
NCHUNK = EP // (NW * K)
NP = 10016
SP = NP // NS
R = 2000

_MESH = plsc.VectorSubcoreMesh(
    core_axis_name="c", subcore_axis_name="s", num_cores=NC, num_subcores=NS)
_SC_PARAMS = pltpu.CompilerParams(use_tc_tiling_on_sc=False)


def _deg_body(edges_hbm, ones_hbm, z_hbm, degp_hbm, dst_v, ones_v, acc, ssem):
  cid = lax.axis_index("c")
  sid = lax.axis_index("s")
  wid = sid * NC + cid
  pltpu.sync_copy(z_hbm, acc.at[pl.ds(sid * SP, SP)])
  pltpu.sync_copy(ones_hbm, ones_v)
  pltpu.sync_copy(edges_hbm.at[1, pl.ds(wid * NCHUNK, NCHUNK)], dst_v)
  plsc.subcore_barrier()

  def body(j, carry):
    pltpu.async_copy(ones_v, acc.at[dst_v.at[j]], ssem, add=True)
    return carry

  lax.fori_loop(0, NCHUNK, body, 0)

  def drain(j, carry):
    pltpu.make_async_copy(ones_v, acc.at[dst_v.at[j]], ssem).wait()
    return carry

  lax.fori_loop(0, NCHUNK, drain, 0)
  plsc.subcore_barrier()
  pltpu.sync_copy(acc.at[pl.ds(sid * SP, SP)],
                  degp_hbm.at[cid, pl.ds(sid * SP, SP), pl.ds(0, 8)])


def _deg_call(edges3, ones8, z8):
  return pl.kernel(
      _deg_body,
      out_type=jax.ShapeDtypeStruct((NC, NP, D), jnp.float32),
      mesh=_MESH,
      scratch_types=[
          pltpu.VMEM((NCHUNK, K), jnp.int32),
          pltpu.VMEM((K, 8), jnp.float32),
          pltpu.VMEM_SHARED((NP, 8), jnp.float32),
          pltpu.SemaphoreType.DMA,
      ],
      compiler_params=_SC_PARAMS,
  )(edges3, ones8, z8)


def _prop128_body(g_hbm, edges_hbm, z_hbm, out_hbm,
                  src_v, dst_v, rows0, rows1, acc, gs0, gs1):
  cid = lax.axis_index("c")
  sid = lax.axis_index("s")
  wid = sid * NC + cid
  pltpu.sync_copy(z_hbm, acc.at[pl.ds(sid * SP, SP)])

  hc = NCHUNK // 2
  for h in range(2):
    base = wid * NCHUNK + h * hc
    pltpu.sync_copy(edges_hbm.at[0, pl.ds(base, hc)], src_v)
    pltpu.sync_copy(edges_hbm.at[1, pl.ds(base, hc)], dst_v)
    if h == 0:
      plsc.subcore_barrier()
    pltpu.async_copy(g_hbm.at[src_v.at[0]], rows0, gs0)
    pltpu.async_copy(g_hbm.at[src_v.at[1]], rows1, gs1)

    def chunk(j, buf, gs):
      pltpu.make_async_copy(g_hbm.at[src_v.at[j]], buf, gs).wait()
      pltpu.sync_copy(buf, acc.at[dst_v.at[j]], add=True)

      @pl.when(j + 2 < hc)
      def _():
        pltpu.async_copy(g_hbm.at[src_v.at[j + 2]], buf, gs)

    def body(j, carry):
      @pl.when(lax.rem(j, 2) == 0)
      def _():
        chunk(j, rows0, gs0)

      @pl.when(lax.rem(j, 2) == 1)
      def _():
        chunk(j, rows1, gs1)

      return carry

    lax.fori_loop(0, hc, body, 0)

  plsc.subcore_barrier()
  pltpu.sync_copy(acc.at[pl.ds(sid * SP, SP)],
                  out_hbm.at[cid, pl.ds(sid * SP, SP)])


def _prop128_call(g, edges3, z128):
  hc = NCHUNK // 2
  return pl.kernel(
      _prop128_body,
      out_type=jax.ShapeDtypeStruct((NC, NP, D), jnp.float32),
      mesh=_MESH,
      scratch_types=[
          pltpu.VMEM((hc, K), jnp.int32),
          pltpu.VMEM((hc, K), jnp.int32),
          pltpu.VMEM((K, D), jnp.float32),
          pltpu.VMEM((K, D), jnp.float32),
          pltpu.VMEM_SHARED((NP, D), jnp.float32),
          pltpu.SemaphoreType.DMA,
          pltpu.SemaphoreType.DMA,
      ],
      compiler_params=_SC_PARAMS,
  )(g, edges3, z128)


def _prop48_body(g_hbm, edges_hbm, z_hbm, out_hbm,
                 src_v, dst_v, rows0, rows1, rows2, rows3, acc,
                 gs0, gs1, gs2, gs3, ss0, ss1, ss2, ss3):
  cid = lax.axis_index("c")
  sid = lax.axis_index("s")
  wid = sid * NC + cid
  bufs = (rows0, rows1, rows2, rows3)
  gss = (gs0, gs1, gs2, gs3)
  sss = (ss0, ss1, ss2, ss3)
  pltpu.sync_copy(z_hbm, acc.at[pl.ds(sid * SP, SP)])
  base = wid * NCHUNK
  pltpu.sync_copy(edges_hbm.at[0, pl.ds(base, NCHUNK)], src_v)
  pltpu.sync_copy(edges_hbm.at[1, pl.ds(base, NCHUNK)], dst_v)
  plsc.subcore_barrier()

  pltpu.async_copy(g_hbm.at[src_v.at[0]], rows0, gs0)
  pltpu.async_copy(g_hbm.at[src_v.at[1]], rows1, gs1)

  def chunk(j, m):
    pltpu.make_async_copy(g_hbm.at[src_v.at[j]], bufs[m], gss[m]).wait()
    pltpu.async_copy(bufs[m], acc.at[dst_v.at[j]], sss[m], add=True)
    m2 = (m + 2) % 4

    @pl.when(j + 2 < NCHUNK)
    def _():
      @pl.when(j >= 2)
      def _():
        pltpu.make_async_copy(bufs[m2], acc.at[dst_v.at[0]], sss[m2]).wait()

      pltpu.async_copy(g_hbm.at[src_v.at[j + 2]], bufs[m2], gss[m2])

  def body(j, carry):
    m = lax.rem(j, 4)
    for mm in range(4):
      @pl.when(m == mm)
      def _():
        chunk(j, mm)

    return carry

  lax.fori_loop(0, NCHUNK, body, 0)
  for mm in range(4):
    pltpu.make_async_copy(bufs[mm], acc.at[dst_v.at[0]], sss[mm]).wait()
  plsc.subcore_barrier()
  pltpu.sync_copy(acc.at[pl.ds(sid * SP, SP)],
                  out_hbm.at[cid, pl.ds(sid * SP, SP), pl.ds(0, CP)])


def _prop48_call(g, edges3, z48):
  return pl.kernel(
      _prop48_body,
      out_type=jax.ShapeDtypeStruct((NC, NP, D), jnp.float32),
      mesh=_MESH,
      scratch_types=[
          pltpu.VMEM((NCHUNK, K), jnp.int32),
          pltpu.VMEM((NCHUNK, K), jnp.int32),
          pltpu.VMEM((K, CP), jnp.float32),
          pltpu.VMEM((K, CP), jnp.float32),
          pltpu.VMEM((K, CP), jnp.float32),
          pltpu.VMEM((K, CP), jnp.float32),
          pltpu.VMEM_SHARED((NP, CP), jnp.float32),
          pltpu.SemaphoreType.DMA,
          pltpu.SemaphoreType.DMA,
          pltpu.SemaphoreType.DMA,
          pltpu.SemaphoreType.DMA,
          pltpu.SemaphoreType.DMA,
          pltpu.SemaphoreType.DMA,
          pltpu.SemaphoreType.DMA,
          pltpu.SemaphoreType.DMA,
      ],
      compiler_params=_SC_PARAMS,
  )(g, edges3, z48)


def _tc0_kernel(x_ref, w1_ref, b1_ref, h1_ref):
  h = jnp.dot(x_ref[...], w1_ref[...], preferred_element_type=jnp.float32)
  h1_ref[...] = h + b1_ref[...]


def _tc1_kernel(h1_ref, degp_ref, g1_ref, dinvw_ref):
  deg = degp_ref[0, :, 0] + degp_ref[1, :, 0]
  dinvw = lax.rsqrt(jnp.maximum(deg, 1.0))[:, None] * jnp.ones(
      (1, D), jnp.float32)
  dinvw_ref[...] = dinvw
  g1_ref[...] = h1_ref[...] * dinvw


def _tc2_kernel(s1p_ref, dinvw_ref, w2_ref, b2_ref, g2_ref):
  dinvw = dinvw_ref[...]
  h = jnp.maximum((s1p_ref[0] + s1p_ref[1]) * dinvw, 0.0)
  out = jnp.dot(h, w2_ref[...], preferred_element_type=jnp.float32)
  g2_ref[...] = (out + b2_ref[...]) * dinvw[:, :CP]


def _tc3_kernel(s2p_ref, dinvw_ref, out_ref):
  z = (s2p_ref[0, :, :C] + s2p_ref[1, :, :C]) * dinvw_ref[:, :C]
  m = jnp.max(z, axis=1, keepdims=True)
  e = jnp.exp(z - m)
  lse = jnp.log(jnp.sum(e, axis=1, keepdims=True))
  out_ref[...] = z - m - lse


def _tc0(x, W1, b1r):
  return pl.pallas_call(
      _tc0_kernel,
      grid=(N // R,),
      in_specs=[
          pl.BlockSpec((R, D), lambda i: (i, 0)),
          pl.BlockSpec((D, D), lambda i: (0, 0)),
          pl.BlockSpec((1, D), lambda i: (0, 0)),
      ],
      out_specs=pl.BlockSpec((R, D), lambda i: (i, 0)),
      out_shape=jax.ShapeDtypeStruct((N, D), jnp.float32),
  )(x, W1, b1r)


def _tc1(h1, degp):
  return pl.pallas_call(
      _tc1_kernel,
      grid=(N // R,),
      in_specs=[
          pl.BlockSpec((R, D), lambda i: (i, 0)),
          pl.BlockSpec((NC, R, D), lambda i: (0, i, 0)),
      ],
      out_specs=[
          pl.BlockSpec((R, D), lambda i: (i, 0)),
          pl.BlockSpec((R, D), lambda i: (i, 0)),
      ],
      out_shape=[
          jax.ShapeDtypeStruct((N, D), jnp.float32),
          jax.ShapeDtypeStruct((N, D), jnp.float32),
      ],
  )(h1, degp)


def _tc2(s1p, dinvw, W2p, b2p):
  return pl.pallas_call(
      _tc2_kernel,
      grid=(N // R,),
      in_specs=[
          pl.BlockSpec((NC, R, D), lambda i: (0, i, 0)),
          pl.BlockSpec((R, D), lambda i: (i, 0)),
          pl.BlockSpec((D, CP), lambda i: (0, 0)),
          pl.BlockSpec((1, CP), lambda i: (0, 0)),
      ],
      out_specs=pl.BlockSpec((R, CP), lambda i: (i, 0)),
      out_shape=jax.ShapeDtypeStruct((N, CP), jnp.float32),
  )(s1p, dinvw, W2p, b2p)


def _tc3(s2p, dinvw):
  return pl.pallas_call(
      _tc3_kernel,
      grid=(N // R,),
      in_specs=[
          pl.BlockSpec((NC, R, D), lambda i: (0, i, 0)),
          pl.BlockSpec((R, D), lambda i: (i, 0)),
      ],
      out_specs=pl.BlockSpec((R, C), lambda i: (i, 0)),
      out_shape=jax.ShapeDtypeStruct((N, C), jnp.float32),
  )(s2p, dinvw)


_PAD_EDGES = np.stack([(np.arange(EP - E) * 131) % N,
                       N + (np.arange(EP - E) % 16)]).astype(np.int32)


def kernel(x, edge_index, W1, b1, W2, b2):
  pad = jnp.asarray(_PAD_EDGES)
  edges3 = jnp.concatenate([edge_index, pad], axis=1).reshape(2, EP // K, K)
  b1r = b1.reshape(1, D)
  W2p = jnp.pad(W2, ((0, 0), (0, CP - C)))
  b2p = jnp.pad(b2, (0, CP - C)).reshape(1, CP)
  ones8 = jnp.ones((K, 8), jnp.float32)
  z8 = jnp.zeros((SP, 8), jnp.float32)
  z128 = jnp.zeros((SP, D), jnp.float32)
  z48 = jnp.zeros((SP, CP), jnp.float32)

  h1 = _tc0(x, W1, b1r)
  degp = _deg_call(edges3, ones8, z8)
  g1, dinvw = _tc1(h1, degp)
  s1p = _prop128_call(g1, edges3, z128)
  g2 = _tc2(s1p, dinvw, W2p, b2p)
  s2p = _prop48_call(g2, edges3, z48)
  return _tc3(s2p, dinvw)

# --- scband reference (transcript-rebuilt; emitter-appended) ---
"""Pipeline reference for scband-ncmodel-74809740361786 (READ-ONLY COPY).

The authoritative reference and input builder live on the scoring server;
editing this copy changes nothing except your own understanding.
"""

import jax, jax.numpy as jnp
import numpy as np

N = 10000
E = 320000
D = 128
C = 40

def setup_inputs(seed: int = 0) -> dict:
    key = jax.random.key(seed)
    k1, k2, k3, k4, k5, k6 = jax.random.split(key, 6)
    x = jax.random.normal(k1, (N, D), dtype=jnp.float32)
    edge_index = jax.random.randint(k2, (2, E), 0, N, dtype=jnp.int32)
    W1 = jax.random.normal(k3, (D, D), dtype=jnp.float32) * (1.0 / np.sqrt(D))
    b1 = jnp.zeros((D,), dtype=jnp.float32)
    W2 = jax.random.normal(k4, (D, C), dtype=jnp.float32) * (1.0 / np.sqrt(D))
    b2 = jnp.zeros((C,), dtype=jnp.float32)
    return {"x": x, "edge_index": edge_index, "W1": W1, "b1": b1, "W2": W2, "b2": b2}

def _gcn_propagate(h, edge_index):
    # symmetric-normalized sparse adjacency: A_hat @ h
    src = edge_index[0]
    dst = edge_index[1]
    ones = jnp.ones((edge_index.shape[1],), dtype=h.dtype)
    deg = jax.ops.segment_sum(ones, dst, num_segments=N)
    deg = jnp.maximum(deg, 1.0)
    dinv = jax.lax.rsqrt(deg)
    norm = dinv[src] * dinv[dst]
    msg = h[src] * norm[:, None]
    return jax.ops.segment_sum(msg, dst, num_segments=N)

def reference(x, edge_index, W1, b1, W2, b2):
    # NCModel.encode: GCN encoder layer (linear -> aggregate -> relu)
    h = x @ W1 + b1
    h = _gcn_propagate(h, edge_index)
    h = jax.nn.relu(h)
    # NCModel.decode: GCN decoder layer -> log_softmax over classes
    out = h @ W2 + b2
    out = _gcn_propagate(out, edge_index)
    return jax.nn.log_softmax(out, axis=1)

if __name__ == "__main__":
    import jax
    _d = setup_inputs()
    print(jax.jit(kernel)(*tuple(_d.values())))

</pallas_src>

<mosaic_0001>
#map = affine_map<(d0, d1) -> (0, 0, 0)>
#map1 = affine_map<(d0, d1) -> (0, 0)>
module attributes {stable_mosaic.version = 14 : i64} {
  func.func @_deg_body(%arg0: i32, %arg1: i32, %arg2: memref<2x2560x128xi32, #tpu.memory_space<hbm>>, %arg3: memref<128x8xf32, #tpu.memory_space<hbm>>, %arg4: memref<626x8xf32, #tpu.memory_space<hbm>>, %arg5: memref<2x10016x128xf32, #tpu.memory_space<hbm>>, %arg6: memref<80x128xi32, #tpu.memory_space<vmem>>, %arg7: memref<128x8xf32, #tpu.memory_space<vmem>>, %arg8: memref<10016x8xf32, #tpu.memory_space<vmem_shared>>, %arg9: memref<!tpu.dma_semaphore, #tpu.memory_space<semaphore_mem>>) attributes {dimension_semantics = [#tpu.dimension_semantics<core_parallel>, #tpu.dimension_semantics<subcore_parallel>], iteration_bounds = array<i64: 2, 16>, scalar_prefetch = 0 : i64, scratch_operands = 4 : i64, tpu.core_type = #tpu.core_type<sc_vector_subcore>, window_params = [{transform_indices = #map}, {transform_indices = #map1}, {transform_indices = #map1}, {transform_indices = #map}]} {
    %mul3A = arith.constant 2 : i32
    %mul3A_0 = arith.muli %arg1, %mul3A : i32
    %add3A = arith.addi %mul3A_0, %arg0 : i32
    %mul3A_1 = arith.constant 626 : i32
    %mul3A_2 = arith.muli %arg1, %mul3A_1 : i32
    "tpu.region"() ({
      %run_scoped3A_21 = tpu.sem_alloc : memref<!tpu.dma_semaphore, #tpu.memory_space<semaphore_mem>>
      %dma_start3A = arith.constant 0 : i32
      %dma_start3A_22 = tpu.memref_slice %arg8[%mul3A_2, %dma_start3A] : memref<10016x8xf32, #tpu.memory_space<vmem_shared>> -> memref<626x8xf32, #tpu.memory_space<vmem_shared>>
      tpu.enqueue_dma source(%arg4 : memref<626x8xf32, #tpu.memory_space<hbm>>) target(%dma_start3A_22 : memref<626x8xf32, #tpu.memory_space<vmem_shared>>) target_semaphore(%run_scoped3A_21 : memref<!tpu.dma_semaphore, #tpu.memory_space<semaphore_mem>>)
      %dma_wait3A = arith.constant 0 : i32
      %dma_wait3A_23 = tpu.memref_slice %arg8[%mul3A_2, %dma_wait3A] : memref<10016x8xf32, #tpu.memory_space<vmem_shared>> -> memref<626x8xf32, #tpu.memory_space<vmem_shared>>
      tpu.wait_dma2 semaphore(%run_scoped3A_21 : memref<!tpu.dma_semaphore, #tpu.memory_space<semaphore_mem>>) src(%arg4 : memref<626x8xf32, #tpu.memory_space<hbm>>) dst(%dma_wait3A_23 : memref<626x8xf32, #tpu.memory_space<vmem_shared>>)
      tpu.yield
    }) : () -> ()
    "tpu.region"() ({
      %run_scoped3A_21 = tpu.sem_alloc : memref<!tpu.dma_semaphore, #tpu.memory_space<semaphore_mem>>
      tpu.enqueue_dma source(%arg3 : memref<128x8xf32, #tpu.memory_space<hbm>>) target(%arg7 : memref<128x8xf32, #tpu.memory_space<vmem>>) target_semaphore(%run_scoped3A_21 : memref<!tpu.dma_semaphore, #tpu.memory_space<semaphore_mem>>)
      tpu.wait_dma2 semaphore(%run_scoped3A_21 : memref<!tpu.dma_semaphore, #tpu.memory_space<semaphore_mem>>) src(%arg3 : memref<128x8xf32, #tpu.memory_space<hbm>>) dst(%arg7 : memref<128x8xf32, #tpu.memory_space<vmem>>)
      tpu.yield
    }) : () -> ()
    %mul3A_3 = arith.constant 80 : i32
    %mul3A_4 = arith.muli %add3A, %mul3A_3 : i32
    %run_scoped3A = arith.constant 1 : i32
    "tpu.region"() ({
      %run_scoped3A_21 = tpu.sem_alloc : memref<!tpu.dma_semaphore, #tpu.memory_space<semaphore_mem>>
      %dma_start3A = arith.constant 0 : i32
      %dma_start3A_22 = tpu.memref_slice %arg2[%run_scoped3A, %mul3A_4, %dma_start3A] : memref<2x2560x128xi32, #tpu.memory_space<hbm>> -> memref<1x80x128xi32, #tpu.memory_space<hbm>>
      %dma_start3A_23 = tpu.memref_squeeze %dma_start3A_22 : memref<1x80x128xi32, #tpu.memory_space<hbm>> -> memref<80x128xi32, #tpu.memory_space<hbm>>
      %dma_start3A_24 = arith.constant 0 : i32
      %dma_start3A_25 = tpu.memref_slice %arg2[%run_scoped3A, %mul3A_4, %dma_start3A_24] : memref<2x2560x128xi32, #tpu.memory_space<hbm>> -> memref<1x80x128xi32, #tpu.memory_space<hbm>>
      %dma_start3A_26 = tpu.memref_squeeze %dma_start3A_25 : memref<1x80x128xi32, #tpu.memory_space<hbm>> -> memref<80x128xi32, #tpu.memory_space<hbm>>
      tpu.enqueue_dma source(%dma_start3A_26 : memref<80x128xi32, #tpu.memory_space<hbm>>) target(%arg6 : memref<80x128xi32, #tpu.memory_space<vmem>>) target_semaphore(%run_scoped3A_21 : memref<!tpu.dma_semaphore, #tpu.memory_space<semaphore_mem>>)
      %dma_wait3A = arith.constant 0 : i32
      %dma_wait3A_27 = tpu.memref_slice %arg2[%run_scoped3A, %mul3A_4, %dma_wait3A] : memref<2x2560x128xi32, #tpu.memory_space<hbm>> -> memref<1x80x128xi32, #tpu.memory_space<hbm>>
      %dma_wait3A_28 = tpu.memref_squeeze %dma_wait3A_27 : memref<1x80x128xi32, #tpu.memory_space<hbm>> -> memref<80x128xi32, #tpu.memory_space<hbm>>
      %dma_wait3A_29 = arith.constant 0 : i32
      %dma_wait3A_30 = tpu.memref_slice %arg2[%run_scoped3A, %mul3A_4, %dma_wait3A_29] : memref<2x2560x128xi32, #tpu.memory_space<hbm>> -> memref<1x80x128xi32, #tpu.memory_space<hbm>>
      %dma_wait3A_31 = tpu.memref_squeeze %dma_wait3A_30 : memref<1x80x128xi32, #tpu.memory_space<hbm>> -> memref<80x128xi32, #tpu.memory_space<hbm>>
      tpu.wait_dma2 semaphore(%run_scoped3A_21 : memref<!tpu.dma_semaphore, #tpu.memory_space<semaphore_mem>>) src(%dma_wait3A_31 : memref<80x128xi32, #tpu.memory_space<hbm>>) dst(%arg6 : memref<80x128xi32, #tpu.memory_space<vmem>>)
      tpu.yield
    }) : () -> ()
    %barrier3A = arith.constant 0 : index
    tpu.barrier barrier_id(%barrier3A)
    %scan3A = arith.constant 0 : i32
    %scan3A_5 = arith.constant 0 : i32
    %scan3A_6 = arith.constant 80 : i32
    %scan3A_7 = arith.addi %scan3A_5, %scan3A_6 : i32
    %scan3A_8 = arith.constant 1 : i32
    scf.for %scan3A_21 = %scan3A_5 to %scan3A_7 step %scan3A_8  : i32 {
      %dma_start3A = arith.constant 0 : i32
      %dma_start3A_22 = tpu.memref_slice %arg6[%scan3A_21, %dma_start3A] : memref<80x128xi32, #tpu.memory_space<vmem>> -> memref<1x128xi32, #tpu.memory_space<vmem>>
      %dma_start3A_23 = tpu.memref_squeeze %dma_start3A_22 : memref<1x128xi32, #tpu.memory_space<vmem>> -> memref<128xi32, #tpu.memory_space<vmem>>
      %dma_start3A_24 = arith.constant 0 : i32
      %dma_start3A_25 = arith.constant 0 : i32
      %dma_start3A_26 = tpu.memref_slice %arg8[%dma_start3A_24, %dma_start3A_25] : memref<10016x8xf32, #tpu.memory_space<vmem_shared>> -> memref<10016x8xf32, #tpu.memory_space<vmem_shared>>
      tpu.enqueue_indirect_dma source(%arg7 : memref<128x8xf32, #tpu.memory_space<vmem>>) target(%dma_start3A_26 : memref<10016x8xf32, #tpu.memory_space<vmem_shared>>) offsets(%dma_start3A_23 : memref<128xi32, #tpu.memory_space<vmem>>) semaphore(%arg9 : memref<!tpu.dma_semaphore, #tpu.memory_space<semaphore_mem>>) {add = true}
    }
    %scan3A_9 = arith.constant 80 : i32
    %scan3A_10 = arith.constant 0 : i32
    %scan3A_11 = arith.constant 0 : i32
    %scan3A_12 = arith.constant 80 : i32
    %scan3A_13 = arith.addi %scan3A_11, %scan3A_12 : i32
    %scan3A_14 = arith.constant 1 : i32
    scf.for %scan3A_21 = %scan3A_11 to %scan3A_13 step %scan3A_14  : i32 {
      %dma_wait3A = arith.constant 0 : i32
      %dma_wait3A_22 = tpu.memref_slice %arg6[%scan3A_21, %dma_wait3A] : memref<80x128xi32, #tpu.memory_space<vmem>> -> memref<1x128xi32, #tpu.memory_space<vmem>>
      %dma_wait3A_23 = tpu.memref_squeeze %dma_wait3A_22 : memref<1x128xi32, #tpu.memory_space<vmem>> -> memref<128xi32, #tpu.memory_space<vmem>>
      %dma_wait3A_24 = arith.constant 0 : i32
      %dma_wait3A_25 = arith.constant 0 : i32
      %dma_wait3A_26 = tpu.memref_slice %arg8[%dma_wait3A_24, %dma_wait3A_25] : memref<10016x8xf32, #tpu.memory_space<vmem_shared>> -> memref<10016x8xf32, #tpu.memory_space<vmem_shared>>
      tpu.wait_indirect_dma semaphore(%arg9 : memref<!tpu.dma_semaphore, #tpu.memory_space<semaphore_mem>>) src(%arg7 : memref<128x8xf32, #tpu.memory_space<vmem>>) dst(%dma_wait3A_26 : memref<10016x8xf32, #tpu.memory_space<vmem_shared>>)
    }
    %scan3A_15 = arith.constant 80 : i32
    %barrier3A_16 = arith.constant 0 : index
    tpu.barrier barrier_id(%barrier3A_16)
    %mul3A_17 = arith.constant 626 : i32
    %mul3A_18 = arith.muli %arg1, %mul3A_17 : i32
    %mul3A_19 = arith.constant 626 : i32
    %mul3A_20 = arith.muli %arg1, %mul3A_19 : i32
    "tpu.region"() ({
      %run_scoped3A_21 = tpu.sem_alloc : memref<!tpu.dma_semaphore, #tpu.memory_space<semaphore_mem>>
      %dma_start3A = arith.constant 0 : i32
      %dma_start3A_22 = tpu.memref_slice %arg5[%arg0, %mul3A_20, %dma_start3A] : memref<2x10016x128xf32, #tpu.memory_space<hbm>> -> memref<1x626x8xf32, #tpu.memory_space<hbm>>
      %dma_start3A_23 = tpu.memref_squeeze %dma_start3A_22 : memref<1x626x8xf32, #tpu.memory_space<hbm>> -> memref<626x8xf32, #tpu.memory_space<hbm>>
      %dma_start3A_24 = arith.constant 0 : i32
      %dma_start3A_25 = tpu.memref_slice %arg8[%mul3A_18, %dma_start3A_24] : memref<10016x8xf32, #tpu.memory_space<vmem_shared>> -> memref<626x8xf32, #tpu.memory_space<vmem_shared>>
      tpu.enqueue_dma source(%dma_start3A_25 : memref<626x8xf32, #tpu.memory_space<vmem_shared>>) target(%dma_start3A_23 : memref<626x8xf32, #tpu.memory_space<hbm>>) target_semaphore(%run_scoped3A_21 : memref<!tpu.dma_semaphore, #tpu.memory_space<semaphore_mem>>)
      %dma_wait3A = arith.constant 0 : i32
      %dma_wait3A_26 = tpu.memref_slice %arg5[%arg0, %mul3A_20, %dma_wait3A] : memref<2x10016x128xf32, #tpu.memory_space<hbm>> -> memref<1x626x8xf32, #tpu.memory_space<hbm>>
      %dma_wait3A_27 = tpu.memref_squeeze %dma_wait3A_26 : memref<1x626x8xf32, #tpu.memory_space<hbm>> -> memref<626x8xf32, #tpu.memory_space<hbm>>
      %dma_wait3A_28 = arith.constant 0 : i32
      %dma_wait3A_29 = tpu.memref_slice %arg8[%mul3A_18, %dma_wait3A_28] : memref<10016x8xf32, #tpu.memory_space<vmem_shared>> -> memref<626x8xf32, #tpu.memory_space<vmem_shared>>
      tpu.wait_dma2 semaphore(%run_scoped3A_21 : memref<!tpu.dma_semaphore, #tpu.memory_space<semaphore_mem>>) src(%dma_wait3A_29 : memref<626x8xf32, #tpu.memory_space<vmem_shared>>) dst(%dma_wait3A_27 : memref<626x8xf32, #tpu.memory_space<hbm>>)
      tpu.yield
    }) : () -> ()
    return
  }
}

#map = affine_map<(d0, d1) -> (0, 0)>
#map1 = affine_map<(d0, d1) -> (0, 0, 0)>
module attributes {stable_mosaic.version = 14 : i64} {
  func.func @_prop48_body(%arg0: i32, %arg1: i32, %arg2: memref<10000x48xf32, #tpu.memory_space<hbm>>, %arg3: memref<2x2560x128xi32, #tpu.memory_space<hbm>>, %arg4: memref<626x48xf32, #tpu.memory_space<hbm>>, %arg5: memref<2x10016x128xf32, #tpu.memory_space<hbm>>, %arg6: memref<80x128xi32, #tpu.memory_space<vmem>>, %arg7: memref<80x128xi32, #tpu.memory_space<vmem>>, %arg8: memref<128x48xf32, #tpu.memory_space<vmem>>, %arg9: memref<128x48xf32, #tpu.memory_space<vmem>>, %arg10: memref<128x48xf32, #tpu.memory_space<vmem>>, %arg11: memref<128x48xf32, #tpu.memory_space<vmem>>, %arg12: memref<10016x48xf32, #tpu.memory_space<vmem_shared>>, %arg13: memref<!tpu.dma_semaphore, #tpu.memory_space<semaphore_mem>>, %arg14: memref<!tpu.dma_semaphore, #tpu.memory_space<semaphore_mem>>, %arg15: memref<!tpu.dma_semaphore, #tpu.memory_space<semaphore_mem>>, %arg16: memref<!tpu.dma_semaphore, #tpu.memory_space<semaphore_mem>>, %arg17: memref<!tpu.dma_semaphore, #tpu.memory_space<semaphore_mem>>, %arg18: memref<!tpu.dma_semaphore, #tpu.memory_space<semaphore_mem>>, %arg19: memref<!tpu.dma_semaphore, #tpu.memory_space<semaphore_mem>>, %arg20: memref<!tpu.dma_semaphore, #tpu.memory_space<semaphore_mem>>) attributes {dimension_semantics = [#tpu.dimension_semantics<core_parallel>, #tpu.dimension_semantics<subcore_parallel>], iteration_bounds = array<i64: 2, 16>, scalar_prefetch = 0 : i64, scratch_operands = 15 : i64, tpu.core_type = #tpu.core_type<sc_vector_subcore>, window_params = [{transform_indices = #map}, {transform_indices = #map1}, {transform_indices = #map}, {transform_indices = #map1}]} {
    %mul3A = arith.constant 2 : i32
    %mul3A_0 = arith.muli %arg1, %mul3A : i32
    %add3A = arith.addi %mul3A_0, %arg0 : i32
    %mul3A_1 = arith.constant 626 : i32
    %mul3A_2 = arith.muli %arg1, %mul3A_1 : i32
    "tpu.region"() ({
      %run_scoped3A_56 = tpu.sem_alloc : memref<!tpu.dma_semaphore, #tpu.memory_space<semaphore_mem>>
      %dma_start3A_57 = arith.constant 0 : i32
      %dma_start3A_58 = tpu.memref_slice %arg12[%mul3A_2, %dma_start3A_57] : memref<10016x48xf32, #tpu.memory_space<vmem_shared>> -> memref<626x48xf32, #tpu.memory_space<vmem_shared>>
      tpu.enqueue_dma source(%arg4 : memref<626x48xf32, #tpu.memory_space<hbm>>) target(%dma_start3A_58 : memref<626x48xf32, #tpu.memory_space<vmem_shared>>) target_semaphore(%run_scoped3A_56 : memref<!tpu.dma_semaphore, #tpu.memory_space<semaphore_mem>>)
      %dma_wait3A_59 = arith.constant 0 : i32
      %dma_wait3A_60 = tpu.memref_slice %arg12[%mul3A_2, %dma_wait3A_59] : memref<10016x48xf32, #tpu.memory_space<vmem_shared>> -> memref<626x48xf32, #tpu.memory_space<vmem_shared>>
      tpu.wait_dma2 semaphore(%run_scoped3A_56 : memref<!tpu.dma_semaphore, #tpu.memory_space<semaphore_mem>>) src(%arg4 : memref<626x48xf32, #tpu.memory_space<hbm>>) dst(%dma_wait3A_60 : memref<626x48xf32, #tpu.memory_space<vmem_shared>>)
      tpu.yield
    }) : () -> ()
    %mul3A_3 = arith.constant 80 : i32
    %mul3A_4 = arith.muli %add3A, %mul3A_3 : i32
    %run_scoped3A = arith.constant 0 : i32
    "tpu.region"() ({
      %run_scoped3A_56 = tpu.sem_alloc : memref<!tpu.dma_semaphore, #tpu.memory_space<semaphore_mem>>
      %dma_start3A_57 = arith.constant 0 : i32
      %dma_start3A_58 = tpu.memref_slice %arg3[%run_scoped3A, %mul3A_4, %dma_start3A_57] : memref<2x2560x128xi32, #tpu.memory_space<hbm>> -> memref<1x80x128xi32, #tpu.memory_space<hbm>>
      %dma_start3A_59 = tpu.memref_squeeze %dma_start3A_58 : memref<1x80x128xi32, #tpu.memory_space<hbm>> -> memref<80x128xi32, #tpu.memory_space<hbm>>
      %dma_start3A_60 = arith.constant 0 : i32
      %dma_start3A_61 = tpu.memref_slice %arg3[%run_scoped3A, %mul3A_4, %dma_start3A_60] : memref<2x2560x128xi32, #tpu.memory_space<hbm>> -> memref<1x80x128xi32, #tpu.memory_space<hbm>>
      %dma_start3A_62 = tpu.memref_squeeze %dma_start3A_61 : memref<1x80x128xi32, #tpu.memory_space<hbm>> -> memref<80x128xi32, #tpu.memory_space<hbm>>
      tpu.enqueue_dma source(%dma_start3A_62 : memref<80x128xi32, #tpu.memory_space<hbm>>) target(%arg6 : memref<80x128xi32, #tpu.memory_space<vmem>>) target_semaphore(%run_scoped3A_56 : memref<!tpu.dma_semaphore, #tpu.memory_space<semaphore_mem>>)
      %dma_wait3A_63 = arith.constant 0 : i32
      %dma_wait3A_64 = tpu.memref_slice %arg3[%run_scoped3A, %mul3A_4, %dma_wait3A_63] : memref<2x2560x128xi32, #tpu.memory_space<hbm>> -> memref<1x80x128xi32, #tpu.memory_space<hbm>>
      %dma_wait3A_65 = tpu.memref_squeeze %dma_wait3A_64 : memref<1x80x128xi32, #tpu.memory_space<hbm>> -> memref<80x128xi32, #tpu.memory_space<hbm>>
      %dma_wait3A_66 = arith.constant 0 : i32
      %dma_wait3A_67 = tpu.memref_slice %arg3[%run_scoped3A, %mul3A_4, %dma_wait3A_66] : memref<2x2560x128xi32, #tpu.memory_space<hbm>> -> memref<1x80x128xi32, #tpu.memory_space<hbm>>
      %dma_wait3A_68 = tpu.memref_squeeze %dma_wait3A_67 : memref<1x80x128xi32, #tpu.memory_space<hbm>> -> memref<80x128xi32, #tpu.memory_space<hbm>>
      tpu.wait_dma2 semaphore(%run_scoped3A_56 : memref<!tpu.dma_semaphore, #tpu.memory_space<semaphore_mem>>) src(%dma_wait3A_68 : memref<80x128xi32, #tpu.memory_space<hbm>>) dst(%arg6 : memref<80x128xi32, #tpu.memory_space<vmem>>)
      tpu.yield
    }) : () -> ()
    %run_scoped3A_5 = arith.constant 1 : i32
    "tpu.region"() ({
      %run_scoped3A_56 = tpu.sem_alloc : memref<!tpu.dma_semaphore, #tpu.memory_space<semaphore_mem>>
      %dma_start3A_57 = arith.constant 0 : i32
      %dma_start3A_58 = tpu.memref_slice %arg3[%run_scoped3A_5, %mul3A_4, %dma_start3A_57] : memref<2x2560x128xi32, #tpu.memory_space<hbm>> -> memref<1x80x128xi32, #tpu.memory_space<hbm>>
      %dma_start3A_59 = tpu.memref_squeeze %dma_start3A_58 : memref<1x80x128xi32, #tpu.memory_space<hbm>> -> memref<80x128xi32, #tpu.memory_space<hbm>>
      %dma_start3A_60 = arith.constant 0 : i32
      %dma_start3A_61 = tpu.memref_slice %arg3[%run_scoped3A_5, %mul3A_4, %dma_start3A_60] : memref<2x2560x128xi32, #tpu.memory_space<hbm>> -> memref<1x80x128xi32, #tpu.memory_space<hbm>>
      %dma_start3A_62 = tpu.memref_squeeze %dma_start3A_61 : memref<1x80x128xi32, #tpu.memory_space<hbm>> -> memref<80x128xi32, #tpu.memory_space<hbm>>
      tpu.enqueue_dma source(%dma_start3A_62 : memref<80x128xi32, #tpu.memory_space<hbm>>) target(%arg7 : memref<80x128xi32, #tpu.memory_space<vmem>>) target_semaphore(%run_scoped3A_56 : memref<!tpu.dma_semaphore, #tpu.memory_space<semaphore_mem>>)
      %dma_wait3A_63 = arith.constant 0 : i32
      %dma_wait3A_64 = tpu.memref_slice %arg3[%run_scoped3A_5, %mul3A_4, %dma_wait3A_63] : memref<2x2560x128xi32, #tpu.memory_space<hbm>> -> memref<1x80x128xi32, #tpu.memory_space<hbm>>
      %dma_wait3A_65 = tpu.memref_squeeze %dma_wait3A_64 : memref<1x80x128xi32, #tpu.memory_space<hbm>> -> memref<80x128xi32, #tpu.memory_space<hbm>>
      %dma_wait3A_66 = arith.constant 0 : i32
      %dma_wait3A_67 = tpu.memref_slice %arg3[%run_scoped3A_5, %mul3A_4, %dma_wait3A_66] : memref<2x2560x128xi32, #tpu.memory_space<hbm>> -> memref<1x80x128xi32, #tpu.memory_space<hbm>>
      %dma_wait3A_68 = tpu.memref_squeeze %dma_wait3A_67 : memref<1x80x128xi32, #tpu.memory_space<hbm>> -> memref<80x128xi32, #tpu.memory_space<hbm>>
      tpu.wait_dma2 semaphore(%run_scoped3A_56 : memref<!tpu.dma_semaphore, #tpu.memory_space<semaphore_mem>>) src(%dma_wait3A_68 : memref<80x128xi32, #tpu.memory_space<hbm>>) dst(%arg7 : memref<80x128xi32, #tpu.memory_space<vmem>>)
      tpu.yield
    }) : () -> ()
    %barrier3A = arith.constant 0 : index
    tpu.barrier barrier_id(%barrier3A)
    %dma_start3A = arith.constant 0 : i32
    %dma_start3A_6 = arith.constant 0 : i32
    %dma_start3A_7 = tpu.memref_slice %arg6[%dma_start3A, %dma_start3A_6] : memref<80x128xi32, #tpu.memory_space<vmem>> -> memref<1x128xi32, #tpu.memory_space<vmem>>
    %dma_start3A_8 = tpu.memref_squeeze %dma_start3A_7 : memref<1x128xi32, #tpu.memory_space<vmem>> -> memref<128xi32, #tpu.memory_space<vmem>>
    %dma_start3A_9 = arith.constant 0 : i32
    %dma_start3A_10 = arith.constant 0 : i32
    %dma_start3A_11 = tpu.memref_slice %arg2[%dma_start3A_9, %dma_start3A_10] : memref<10000x48xf32, #tpu.memory_space<hbm>> -> memref<10000x48xf32, #tpu.memory_space<hbm>>
    tpu.enqueue_indirect_dma source(%dma_start3A_11 : memref<10000x48xf32, #tpu.memory_space<hbm>>) target(%arg8 : memref<128x48xf32, #tpu.memory_space<vmem>>) offsets(%dma_start3A_8 : memref<128xi32, #tpu.memory_space<vmem>>) semaphore(%arg13 : memref<!tpu.dma_semaphore, #tpu.memory_space<semaphore_mem>>)
    %dma_start3A_12 = arith.constant 1 : i32
    %dma_start3A_13 = arith.constant 0 : i32
    %dma_start3A_14 = tpu.memref_slice %arg6[%dma_start3A_12, %dma_start3A_13] : memref<80x128xi32, #tpu.memory_space<vmem>> -> memref<1x128xi32, #tpu.memory_space<vmem>>
    %dma_start3A_15 = tpu.memref_squeeze %dma_start3A_14 : memref<1x128xi32, #tpu.memory_space<vmem>> -> memref<128xi32, #tpu.memory_space<vmem>>
    %dma_start3A_16 = arith.constant 0 : i32
    %dma_start3A_17 = arith.constant 0 : i32
    %dma_start3A_18 = tpu.memref_slice %arg2[%dma_start3A_16, %dma_start3A_17] : memref<10000x48xf32, #tpu.memory_space<hbm>> -> memref<10000x48xf32, #tpu.memory_space<hbm>>
    tpu.enqueue_indirect_dma source(%dma_start3A_18 : memref<10000x48xf32, #tpu.memory_space<hbm>>) target(%arg9 : memref<128x48xf32, #tpu.memory_space<vmem>>) offsets(%dma_start3A_15 : memref<128xi32, #tpu.memory_space<vmem>>) semaphore(%arg14 : memref<!tpu.dma_semaphore, #tpu.memory_space<semaphore_mem>>)
    %scan3A = arith.constant 0 : i32
    %scan3A_19 = arith.constant 0 : i32
    %scan3A_20 = arith.constant 80 : i32
    %scan3A_21 = arith.addi %scan3A_19, %scan3A_20 : i32
    %scan3A_22 = arith.constant 1 : i32
    scf.for %scan3A_56 = %scan3A_19 to %scan3A_21 step %scan3A_22  : i32 {
      %rem3A = arith.constant 4 : i32
      %rem3A_57 = arith.remsi %scan3A_56, %rem3A : i32
      %eq3A = arith.constant 0 : i32
      %eq3A_58 = arith.cmpi eq, %rem3A_57, %eq3A : i32
      %convert_element_type3A = arith.extui %eq3A_58 : i1 to i32
      %cond3A = arith.constant 0 : i32
      %cond3A_59 = arith.cmpi ne, %convert_element_type3A, %cond3A : i32
      scf.if %cond3A_59 {
        %dma_wait3A_75 = arith.constant 0 : i32
        %dma_wait3A_76 = tpu.memref_slice %arg6[%scan3A_56, %dma_wait3A_75] : memref<80x128xi32, #tpu.memory_space<vmem>> -> memref<1x128xi32, #tpu.memory_space<vmem>>
        %dma_wait3A_77 = tpu.memref_squeeze %dma_wait3A_76 : memref<1x128xi32, #tpu.memory_space<vmem>> -> memref<128xi32, #tpu.memory_space<vmem>>
        %dma_wait3A_78 = arith.constant 0 : i32
        %dma_wait3A_79 = arith.constant 0 : i32
        %dma_wait3A_80 = tpu.memref_slice %arg2[%dma_wait3A_78, %dma_wait3A_79] : memref<10000x48xf32, #tpu.memory_space<hbm>> -> memref<10000x48xf32, #tpu.memory_space<hbm>>
        tpu.wait_indirect_dma semaphore(%arg13 : memref<!tpu.dma_semaphore, #tpu.memory_space<semaphore_mem>>) src(%dma_wait3A_80 : memref<10000x48xf32, #tpu.memory_space<hbm>>) dst(%arg8 : memref<128x48xf32, #tpu.memory_space<vmem>>)
        %dma_start3A_81 = arith.constant 0 : i32
        %dma_start3A_82 = tpu.memref_slice %arg7[%scan3A_56, %dma_start3A_81] : memref<80x128xi32, #tpu.memory_space<vmem>> -> memref<1x128xi32, #tpu.memory_space<vmem>>
        %dma_start3A_83 = tpu.memref_squeeze %dma_start3A_82 : memref<1x128xi32, #tpu.memory_space<vmem>> -> memref<128xi32, #tpu.memory_space<vmem>>
        %dma_start3A_84 = arith.constant 0 : i32
        %dma_start3A_85 = arith.constant 0 : i32
        %dma_start3A_86 = tpu.memref_slice %arg12[%dma_start3A_84, %dma_start3A_85] : memref<10016x48xf32, #tpu.memory_space<vmem_shared>> -> memref<10016x48xf32, #tpu.memory_space<vmem_shared>>
        tpu.enqueue_indirect_dma source(%arg8 : memref<128x48xf32, #tpu.memory_space<vmem>>) target(%dma_start3A_86 : memref<10016x48xf32, #tpu.memory_space<vmem_shared>>) offsets(%dma_start3A_83 : memref<128xi32, #tpu.memory_space<vmem>>) semaphore(%arg17 : memref<!tpu.dma_semaphore, #tpu.memory_space<semaphore_mem>>) {add = true}
        %add3A_87 = arith.constant 2 : i32
        %add3A_88 = arith.addi %scan3A_56, %add3A_87 : i32
        %lt3A = arith.constant 80 : i32
        %lt3A_89 = arith.cmpi slt, %add3A_88, %lt3A : i32
        %convert_element_type3A_90 = arith.extui %lt3A_89 : i1 to i32
        %cond3A_91 = arith.constant 0 : i32
        %cond3A_92 = arith.cmpi ne, %convert_element_type3A_90, %cond3A_91 : i32
        scf.if %cond3A_92 {
          %ge3A = arith.constant 2 : i32
          %ge3A_93 = arith.cmpi sge, %scan3A_56, %ge3A : i32
          %convert_element_type3A_94 = arith.extui %ge3A_93 : i1 to i32
          %cond3A_95 = arith.constant 0 : i32
          %cond3A_96 = arith.cmpi ne, %convert_element_type3A_94, %cond3A_95 : i32
          scf.if %cond3A_96 {
            %dma_wait3A_105 = arith.constant 0 : i32
            %dma_wait3A_106 = arith.constant 0 : i32
            %dma_wait3A_107 = tpu.memref_slice %arg7[%dma_wait3A_105, %dma_wait3A_106] : memref<80x128xi32, #tpu.memory_space<vmem>> -> memref<1x128xi32, #tpu.memory_space<vmem>>
            %dma_wait3A_108 = tpu.memref_squeeze %dma_wait3A_107 : memref<1x128xi32, #tpu.memory_space<vmem>> -> memref<128xi32, #tpu.memory_space<vmem>>
            %dma_wait3A_109 = arith.constant 0 : i32
            %dma_wait3A_110 = arith.constant 0 : i32
            %dma_wait3A_111 = tpu.memref_slice %arg12[%dma_wait3A_109, %dma_wait3A_110] : memref<10016x48xf32, #tpu.memory_space<vmem_shared>> -> memref<10016x48xf32, #tpu.memory_space<vmem_shared>>
            tpu.wait_indirect_dma semaphore(%arg19 : memref<!tpu.dma_semaphore, #tpu.memory_space<semaphore_mem>>) src(%arg10 : memref<128x48xf32, #tpu.memory_space<vmem>>) dst(%dma_wait3A_111 : memref<10016x48xf32, #tpu.memory_space<vmem_shared>>)
          } else {
          }
          %add3A_97 = arith.constant 2 : i32
          %add3A_98 = arith.addi %scan3A_56, %add3A_97 : i32
          %dma_start3A_99 = arith.constant 0 : i32
          %dma_start3A_100 = tpu.memref_slice %arg6[%add3A_98, %dma_start3A_99] : memref<80x128xi32, #tpu.memory_space<vmem>> -> memref<1x128xi32, #tpu.memory_space<vmem>>
          %dma_start3A_101 = tpu.memref_squeeze %dma_start3A_100 : memref<1x128xi32, #tpu.memory_space<vmem>> -> memref<128xi32, #tpu.memory_space<vmem>>
          %dma_start3A_102 = arith.constant 0 : i32
          %dma_start3A_103 = arith.constant 0 : i32
          %dma_start3A_104 = tpu.memref_slice %arg2[%dma_start3A_102, %dma_start3A_103] : memref<10000x48xf32, #tpu.memory_space<hbm>> -> memref<10000x48xf32, #tpu.memory_space<hbm>>
          tpu.enqueue_indirect_dma source(%dma_start3A_104 : memref<10000x48xf32, #tpu.memory_space<hbm>>) target(%arg10 : memref<128x48xf32, #tpu.memory_space<vmem>>) offsets(%dma_start3A_101 : memref<128xi32, #tpu.memory_space<vmem>>) semaphore(%arg15 : memref<!tpu.dma_semaphore, #tpu.memory_space<semaphore_mem>>)
        } else {
        }
      } else {
      }
      %eq3A_60 = arith.constant 1 : i32
      %eq3A_61 = arith.cmpi eq, %rem3A_57, %eq3A_60 : i32
      %convert_element_type3A_62 = arith.extui %eq3A_61 : i1 to i32
      %cond3A_63 = arith.constant 0 : i32
      %cond3A_64 = arith.cmpi ne, %convert_element_type3A_62, %cond3A_63 : i32
      scf.if %cond3A_64 {
        %dma_wait3A_75 = arith.constant 0 : i32
        %dma_wait3A_76 = tpu.memref_slice %arg6[%scan3A_56, %dma_wait3A_75] : memref<80x128xi32, #tpu.memory_space<vmem>> -> memref<1x128xi32, #tpu.memory_space<vmem>>
        %dma_wait3A_77 = tpu.memref_squeeze %dma_wait3A_76 : memref<1x128xi32, #tpu.memory_space<vmem>> -> memref<128xi32, #tpu.memory_space<vmem>>
        %dma_wait3A_78 = arith.constant 0 : i32
        %dma_wait3A_79 = arith.constant 0 : i32
        %dma_wait3A_80 = tpu.memref_slice %arg2[%dma_wait3A_78, %dma_wait3A_79] : memref<10000x48xf32, #tpu.memory_space<hbm>> -> memref<10000x48xf32, #tpu.memory_space<hbm>>
        tpu.wait_indirect_dma semaphore(%arg14 : memref<!tpu.dma_semaphore, #tpu.memory_space<semaphore_mem>>) src(%dma_wait3A_80 : memref<10000x48xf32, #tpu.memory_space<hbm>>) dst(%arg9 : memref<128x48xf32, #tpu.memory_space<vmem>>)
        %dma_start3A_81 = arith.constant 0 : i32
        %dma_start3A_82 = tpu.memref_slice %arg7[%scan3A_56, %dma_start3A_81] : memref<80x128xi32, #tpu.memory_space<vmem>> -> memref<1x128xi32, #tpu.memory_space<vmem>>
        %dma_start3A_83 = tpu.memref_squeeze %dma_start3A_82 : memref<1x128xi32, #tpu.memory_space<vmem>> -> memref<128xi32, #tpu.memory_space<vmem>>
        %dma_start3A_84 = arith.constant 0 : i32
        %dma_start3A_85 = arith.constant 0 : i32
        %dma_start3A_86 = tpu.memref_slice %arg12[%dma_start3A_84, %dma_start3A_85] : memref<10016x48xf32, #tpu.memory_space<vmem_shared>> -> memref<10016x48xf32, #tpu.memory_space<vmem_shared>>
        tpu.enqueue_indirect_dma source(%arg9 : memref<128x48xf32, #tpu.memory_space<vmem>>) target(%dma_start3A_86 : memref<10016x48xf32, #tpu.memory_space<vmem_shared>>) offsets(%dma_start3A_83 : memref<128xi32, #tpu.memory_space<vmem>>) semaphore(%arg18 : memref<!tpu.dma_semaphore, #tpu.memory_space<semaphore_mem>>) {add = true}
        %add3A_87 = arith.constant 2 : i32
        %add3A_88 = arith.addi %scan3A_56, %add3A_87 : i32
        %lt3A = arith.constant 80 : i32
        %lt3A_89 = arith.cmpi slt, %add3A_88, %lt3A : i32
        %convert_element_type3A_90 = arith.extui %lt3A_89 : i1 to i32
        %cond3A_91 = arith.constant 0 : i32
        %cond3A_92 = arith.cmpi ne, %convert_element_type3A_90, %cond3A_91 : i32
        scf.if %cond3A_92 {
          %ge3A = arith.constant 2 : i32
          %ge3A_93 = arith.cmpi sge, %scan3A_56, %ge3A : i32
          %convert_element_type3A_94 = arith.extui %ge3A_93 : i1 to i32
          %cond3A_95 = arith.constant 0 : i32
          %cond3A_96 = arith.cmpi ne, %convert_element_type3A_94, %cond3A_95 : i32
          scf.if %cond3A_96 {
            %dma_wait3A_105 = arith.constant 0 : i32
            %dma_wait3A_106 = arith.constant 0 : i32
            %dma_wait3A_107 = tpu.memref_slice %arg7[%dma_wait3A_105, %dma_wait3A_106] : memref<80x128xi32, #tpu.memory_space<vmem>> -> memref<1x128xi32, #tpu.memory_space<vmem>>
            %dma_wait3A_108 = tpu.memref_squeeze %dma_wait3A_107 : memref<1x128xi32, #tpu.memory_space<vmem>> -> memref<128xi32, #tpu.memory_space<vmem>>
            %dma_wait3A_109 = arith.constant 0 : i32
            %dma_wait3A_110 = arith.constant 0 : i32
            %dma_wait3A_111 = tpu.memref_slice %arg12[%dma_wait3A_109, %dma_wait3A_110] : memref<10016x48xf32, #tpu.memory_space<vmem_shared>> -> memref<10016x48xf32, #tpu.memory_space<vmem_shared>>
            tpu.wait_indirect_dma semaphore(%arg20 : memref<!tpu.dma_semaphore, #tpu.memory_space<semaphore_mem>>) src(%arg11 : memref<128x48xf32, #tpu.memory_space<vmem>>) dst(%dma_wait3A_111 : memref<10016x48xf32, #tpu.memory_space<vmem_shared>>)
          } else {
          }
          %add3A_97 = arith.constant 2 : i32
          %add3A_98 = arith.addi %scan3A_56, %add3A_97 : i32
          %dma_start3A_99 = arith.constant 0 : i32
          %dma_start3A_100 = tpu.memref_slice %arg6[%add3A_98, %dma_start3A_99] : memref<80x128xi32, #tpu.memory_space<vmem>> -> memref<1x128xi32, #tpu.memory_space<vmem>>
          %dma_start3A_101 = tpu.memref_squeeze %dma_start3A_100 : memref<1x128xi32, #tpu.memory_space<vmem>> -> memref<128xi32, #tpu.memory_space<vmem>>
          %dma_start3A_102 = arith.constant 0 : i32
          %dma_start3A_103 = arith.constant 0 : i32
          %dma_start3A_104 = tpu.memref_slice %arg2[%dma_start3A_102, %dma_start3A_103] : memref<10000x48xf32, #tpu.memory_space<hbm>> -> memref<10000x48xf32, #tpu.memory_space<hbm>>
          tpu.enqueue_indirect_dma source(%dma_start3A_104 : memref<10000x48xf32, #tpu.memory_space<hbm>>) target(%arg11 : memref<128x48xf32, #tpu.memory_space<vmem>>) offsets(%dma_start3A_101 : memref<128xi32, #tpu.memory_space<vmem>>) semaphore(%arg16 : memref<!tpu.dma_semaphore, #tpu.memory_space<semaphore_mem>>)
        } else {
        }
      } else {
      }
      %eq3A_65 = arith.constant 2 : i32
      %eq3A_66 = arith.cmpi eq, %rem3A_57, %eq3A_65 : i32
      %convert_element_type3A_67 = arith.extui %eq3A_66 : i1 to i32
      %cond3A_68 = arith.constant 0 : i32
      %cond3A_69 = arith.cmpi ne, %convert_element_type3A_67, %cond3A_68 : i32
      scf.if %cond3A_69 {
        %dma_wait3A_75 = arith.constant 0 : i32
        %dma_wait3A_76 = tpu.memref_slice %arg6[%scan3A_56, %dma_wait3A_75] : memref<80x128xi32, #tpu.memory_space<vmem>> -> memref<1x128xi32, #tpu.memory_space<vmem>>
        %dma_wait3A_77 = tpu.memref_squeeze %dma_wait3A_76 : memref<1x128xi32, #tpu.memory_space<vmem>> -> memref<128xi32, #tpu.memory_space<vmem>>
        %dma_wait3A_78 = arith.constant 0 : i32
        %dma_wait3A_79 = arith.constant 0 : i32
        %dma_wait3A_80 = tpu.memref_slice %arg2[%dma_wait3A_78, %dma_wait3A_79] : memref<10000x48xf32, #tpu.memory_space<hbm>> -> memref<10000x48xf32, #tpu.memory_space<hbm>>
        tpu.wait_indirect_dma semaphore(%arg15 : memref<!tpu.dma_semaphore, #tpu.memory_space<semaphore_mem>>) src(%dma_wait3A_80 : memref<10000x48xf32, #tpu.memory_space<hbm>>) dst(%arg10 : memref<128x48xf32, #tpu.memory_space<vmem>>)
        %dma_start3A_81 = arith.constant 0 : i32
        %dma_start3A_82 = tpu.memref_slice %arg7[%scan3A_56, %dma_start3A_81] : memref<80x128xi32, #tpu.memory_space<vmem>> -> memref<1x128xi32, #tpu.memory_space<vmem>>
        %dma_start3A_83 = tpu.memref_squeeze %dma_start3A_82 : memref<1x128xi32, #tpu.memory_space<vmem>> -> memref<128xi32, #tpu.memory_space<vmem>>
        %dma_start3A_84 = arith.constant 0 : i32
        %dma_start3A_85 = arith.constant 0 : i32
        %dma_start3A_86 = tpu.memref_slice %arg12[%dma_start3A_84, %dma_start3A_85] : memref<10016x48xf32, #tpu.memory_space<vmem_shared>> -> memref<10016x48xf32, #tpu.memory_space<vmem_shared>>
        tpu.enqueue_indirect_dma source(%arg10 : memref<128x48xf32, #tpu.memory_space<vmem>>) target(%dma_start3A_86 : memref<10016x48xf32, #tpu.memory_space<vmem_shared>>) offsets(%dma_start3A_83 : memref<128xi32, #tpu.memory_space<vmem>>) semaphore(%arg19 : memref<!tpu.dma_semaphore, #tpu.memory_space<semaphore_mem>>) {add = true}
        %add3A_87 = arith.constant 2 : i32
        %add3A_88 = arith.addi %scan3A_56, %add3A_87 : i32
        %lt3A = arith.constant 80 : i32
        %lt3A_89 = arith.cmpi slt, %add3A_88, %lt3A : i32
        %convert_element_type3A_90 = arith.extui %lt3A_89 : i1 to i32
        %cond3A_91 = arith.constant 0 : i32
        %cond3A_92 = arith.cmpi ne, %convert_element_type3A_90, %cond3A_91 : i32
        scf.if %cond3A_92 {
          %ge3A = arith.constant 2 : i32
          %ge3A_93 = arith.cmpi sge, %scan3A_56, %ge3A : i32
          %convert_element_type3A_94 = arith.extui %ge3A_93 : i1 to i32
          %cond3A_95 = arith.constant 0 : i32
          %cond3A_96 = arith.cmpi ne, %convert_element_type3A_94, %cond3A_95 : i32
          scf.if %cond3A_96 {
            %dma_wait3A_105 = arith.constant 0 : i32
            %dma_wait3A_106 = arith.constant 0 : i32
            %dma_wait3A_107 = tpu.memref_slice %arg7[%dma_wait3A_105, %dma_wait3A_106] : memref<80x128xi32, #tpu.memory_space<vmem>> -> memref<1x128xi32, #tpu.memory_space<vmem>>
            %dma_wait3A_108 = tpu.memref_squeeze %dma_wait3A_107 : memref<1x128xi32, #tpu.memory_space<vmem>> -> memref<128xi32, #tpu.memory_space<vmem>>
            %dma_wait3A_109 = arith.constant 0 : i32
            %dma_wait3A_110 = arith.constant 0 : i32
            %dma_wait3A_111 = tpu.memref_slice %arg12[%dma_wait3A_109, %dma_wait3A_110] : memref<10016x48xf32, #tpu.memory_space<vmem_shared>> -> memref<10016x48xf32, #tpu.memory_space<vmem_shared>>
            tpu.wait_indirect_dma semaphore(%arg17 : memref<!tpu.dma_semaphore, #tpu.memory_space<semaphore_mem>>) src(%arg8 : memref<128x48xf32, #tpu.memory_space<vmem>>) dst(%dma_wait3A_111 : memref<10016x48xf32, #tpu.memory_space<vmem_shared>>)
          } else {
          }
          %add3A_97 = arith.constant 2 : i32
          %add3A_98 = arith.addi %scan3A_56, %add3A_97 : i32
          %dma_start3A_99 = arith.constant 0 : i32
          %dma_start3A_100 = tpu.memref_slice %arg6[%add3A_98, %dma_start3A_99] : memref<80x128xi32, #tpu.memory_space<vmem>> -> memref<1x128xi32, #tpu.memory_space<vmem>>
          %dma_start3A_101 = tpu.memref_squeeze %dma_start3A_100 : memref<1x128xi32, #tpu.memory_space<vmem>> -> memref<128xi32, #tpu.memory_space<vmem>>
          %dma_start3A_102 = arith.constant 0 : i32
          %dma_start3A_103 = arith.constant 0 : i32
          %dma_start3A_104 = tpu.memref_slice %arg2[%dma_start3A_102, %dma_start3A_103] : memref<10000x48xf32, #tpu.memory_space<hbm>> -> memref<10000x48xf32, #tpu.memory_space<hbm>>
          tpu.enqueue_indirect_dma source(%dma_start3A_104 : memref<10000x48xf32, #tpu.memory_space<hbm>>) target(%arg8 : memref<128x48xf32, #tpu.memory_space<vmem>>) offsets(%dma_start3A_101 : memref<128xi32, #tpu.memory_space<vmem>>) semaphore(%arg13 : memref<!tpu.dma_semaphore, #tpu.memory_space<semaphore_mem>>)
        } else {
        }
      } else {
      }
      %eq3A_70 = arith.constant 3 : i32
      %eq3A_71 = arith.cmpi eq, %rem3A_57, %eq3A_70 : i32
      %convert_element_type3A_72 = arith.extui %eq3A_71 : i1 to i32
      %cond3A_73 = arith.constant 0 : i32
      %cond3A_74 = arith.cmpi ne, %convert_element_type3A_72, %cond3A_73 : i32
      scf.if %cond3A_74 {
        %dma_wait3A_75 = arith.constant 0 : i32
        %dma_wait3A_76 = tpu.memref_slice %arg6[%scan3A_56, %dma_wait3A_75] : memref<80x128xi32, #tpu.memory_space<vmem>> -> memref<1x128xi32, #tpu.memory_space<vmem>>
        %dma_wait3A_77 = tpu.memref_squeeze %dma_wait3A_76 : memref<1x128xi32, #tpu.memory_space<vmem>> -> memref<128xi32, #tpu.memory_space<vmem>>
        %dma_wait3A_78 = arith.constant 0 : i32
        %dma_wait3A_79 = arith.constant 0 : i32
        %dma_wait3A_80 = tpu.memref_slice %arg2[%dma_wait3A_78, %dma_wait3A_79] : memref<10000x48xf32, #tpu.memory_space<hbm>> -> memref<10000x48xf32, #tpu.memory_space<hbm>>
        tpu.wait_indirect_dma semaphore(%arg16 : memref<!tpu.dma_semaphore, #tpu.memory_space<semaphore_mem>>) src(%dma_wait3A_80 : memref<10000x48xf32, #tpu.memory_space<hbm>>) dst(%arg11 : memref<128x48xf32, #tpu.memory_space<vmem>>)
        %dma_start3A_81 = arith.constant 0 : i32
        %dma_start3A_82 = tpu.memref_slice %arg7[%scan3A_56, %dma_start3A_81] : memref<80x128xi32, #tpu.memory_space<vmem>> -> memref<1x128xi32, #tpu.memory_space<vmem>>
        %dma_start3A_83 = tpu.memref_squeeze %dma_start3A_82 : memref<1x128xi32, #tpu.memory_space<vmem>> -> memref<128xi32, #tpu.memory_space<vmem>>
        %dma_start3A_84 = arith.constant 0 : i32
        %dma_start3A_85 = arith.constant 0 : i32
        %dma_start3A_86 = tpu.memref_slice %arg12[%dma_start3A_84, %dma_start3A_85] : memref<10016x48xf32, #tpu.memory_space<vmem_shared>> -> memref<10016x48xf32, #tpu.memory_space<vmem_shared>>
        tpu.enqueue_indirect_dma source(%arg11 : memref<128x48xf32, #tpu.memory_space<vmem>>) target(%dma_start3A_86 : memref<10016x48xf32, #tpu.memory_space<vmem_shared>>) offsets(%dma_start3A_83 : memref<128xi32, #tpu.memory_space<vmem>>) semaphore(%arg20 : memref<!tpu.dma_semaphore, #tpu.memory_space<semaphore_mem>>) {add = true}
        %add3A_87 = arith.constant 2 : i32
        %add3A_88 = arith.addi %scan3A_56, %add3A_87 : i32
        %lt3A = arith.constant 80 : i32
        %lt3A_89 = arith.cmpi slt, %add3A_88, %lt3A : i32
        %convert_element_type3A_90 = arith.extui %lt3A_89 : i1 to i32
        %cond3A_91 = arith.constant 0 : i32
        %cond3A_92 = arith.cmpi ne, %convert_element_type3A_90, %cond3A_91 : i32
        scf.if %cond3A_92 {
          %ge3A = arith.constant 2 : i32
          %ge3A_93 = arith.cmpi sge, %scan3A_56, %ge3A : i32
          %convert_element_type3A_94 = arith.extui %ge3A_93 : i1 to i32
          %cond3A_95 = arith.constant 0 : i32
          %cond3A_96 = arith.cmpi ne, %convert_element_type3A_94, %cond3A_95 : i32
          scf.if %cond3A_96 {
            %dma_wait3A_105 = arith.constant 0 : i32
            %dma_wait3A_106 = arith.constant 0 : i32
            %dma_wait3A_107 = tpu.memref_slice %arg7[%dma_wait3A_105, %dma_wait3A_106] : memref<80x128xi32, #tpu.memory_space<vmem>> -> memref<1x128xi32, #tpu.memory_space<vmem>>
            %dma_wait3A_108 = tpu.memref_squeeze %dma_wait3A_107 : memref<1x128xi32, #tpu.memory_space<vmem>> -> memref<128xi32, #tpu.memory_space<vmem>>
            %dma_wait3A_109 = arith.constant 0 : i32
            %dma_wait3A_110 = arith.constant 0 : i32
            %dma_wait3A_111 = tpu.memref_slice %arg12[%dma_wait3A_109, %dma_wait3A_110] : memref<10016x48xf32, #tpu.memory_space<vmem_shared>> -> memref<10016x48xf32, #tpu.memory_space<vmem_shared>>
            tpu.wait_indirect_dma semaphore(%arg18 : memref<!tpu.dma_semaphore, #tpu.memory_space<semaphore_mem>>) src(%arg9 : memref<128x48xf32, #tpu.memory_space<vmem>>) dst(%dma_wait3A_111 : memref<10016x48xf32, #tpu.memory_space<vmem_shared>>)
          } else {
          }
          %add3A_97 = arith.constant 2 : i32
          %add3A_98 = arith.addi %scan3A_56, %add3A_97 : i32
          %dma_start3A_99 = arith.constant 0 : i32
          %dma_start3A_100 = tpu.memref_slice %arg6[%add3A_98, %dma_start3A_99] : memref<80x128xi32, #tpu.memory_space<vmem>> -> memref<1x128xi32, #tpu.memory_space<vmem>>
          %dma_start3A_101 = tpu.memref_squeeze %dma_start3A_100 : memref<1x128xi32, #tpu.memory_space<vmem>> -> memref<128xi32, #tpu.memory_space<vmem>>
          %dma_start3A_102 = arith.constant 0 : i32
          %dma_start3A_103 = arith.constant 0 : i32
          %dma_start3A_104 = tpu.memref_slice %arg2[%dma_start3A_102, %dma_start3A_103] : memref<10000x48xf32, #tpu.memory_space<hbm>> -> memref<10000x48xf32, #tpu.memory_space<hbm>>
          tpu.enqueue_indirect_dma source(%dma_start3A_104 : memref<10000x48xf32, #tpu.memory_space<hbm>>) target(%arg9 : memref<128x48xf32, #tpu.memory_space<vmem>>) offsets(%dma_start3A_101 : memref<128xi32, #tpu.memory_space<vmem>>) semaphore(%arg14 : memref<!tpu.dma_semaphore, #tpu.memory_space<semaphore_mem>>)
        } else {
        }
      } else {
      }
    }
    %scan3A_23 = arith.constant 80 : i32
    %dma_wait3A = arith.constant 0 : i32
    %dma_wait3A_24 = arith.constant 0 : i32
    %dma_wait3A_25 = tpu.memref_slice %arg7[%dma_wait3A, %dma_wait3A_24] : memref<80x128xi32, #tpu.memory_space<vmem>> -> memref<1x128xi32, #tpu.memory_space<vmem>>
    %dma_wait3A_26 = tpu.memref_squeeze %dma_wait3A_25 : memref<1x128xi32, #tpu.memory_space<vmem>> -> memref<128xi32, #tpu.memory_space<vmem>>
    %dma_wait3A_27 = arith.constant 0 : i32
    %dma_wait3A_28 = arith.constant 0 : i32
    %dma_wait3A_29 = tpu.memref_slice %arg12[%dma_wait3A_27, %dma_wait3A_28] : memref<10016x48xf32, #tpu.memory_space<vmem_shared>> -> memref<10016x48xf32, #tpu.memory_space<vmem_shared>>
    tpu.wait_indirect_dma semaphore(%arg17 : memref<!tpu.dma_semaphore, #tpu.memory_space<semaphore_mem>>) src(%arg8 : memref<128x48xf32, #tpu.memory_space<vmem>>) dst(%dma_wait3A_29 : memref<10016x48xf32, #tpu.memory_space<vmem_shared>>)
    %dma_wait3A_30 = arith.constant 0 : i32
    %dma_wait3A_31 = arith.constant 0 : i32
    %dma_wait3A_32 = tpu.memref_slice %arg7[%dma_wait3A_30, %dma_wait3A_31] : memref<80x128xi32, #tpu.memory_space<vmem>> -> memref<1x128xi32, #tpu.memory_space<vmem>>
    %dma_wait3A_33 = tpu.memref_squeeze %dma_wait3A_32 : memref<1x128xi32, #tpu.memory_space<vmem>> -> memref<128xi32, #tpu.memory_space<vmem>>
    %dma_wait3A_34 = arith.constant 0 : i32
    %dma_wait3A_35 = arith.constant 0 : i32
    %dma_wait3A_36 = tpu.memref_slice %arg12[%dma_wait3A_34, %dma_wait3A_35] : memref<10016x48xf32, #tpu.memory_space<vmem_shared>> -> memref<10016x48xf32, #tpu.memory_space<vmem_shared>>
    tpu.wait_indirect_dma semaphore(%arg18 : memref<!tpu.dma_semaphore, #tpu.memory_space<semaphore_mem>>) src(%arg9 : memref<128x48xf32, #tpu.memory_space<vmem>>) dst(%dma_wait3A_36 : memref<10016x48xf32, #tpu.memory_space<vmem_shared>>)
    %dma_wait3A_37 = arith.constant 0 : i32
    %dma_wait3A_38 = arith.constant 0 : i32
    %dma_wait3A_39 = tpu.memref_slice %arg7[%dma_wait3A_37, %dma_wait3A_38] : memref<80x128xi32, #tpu.memory_space<vmem>> -> memref<1x128xi32, #tpu.memory_space<vmem>>
    %dma_wait3A_40 = tpu.memref_squeeze %dma_wait3A_39 : memref<1x128xi32, #tpu.memory_space<vmem>> -> memref<128xi32, #tpu.memory_space<vmem>>
    %dma_wait3A_41 = arith.constant 0 : i32
    %dma_wait3A_42 = arith.constant 0 : i32
    %dma_wait3A_43 = tpu.memref_slice %arg12[%dma_wait3A_41, %dma_wait3A_42] : memref<10016x48xf32, #tpu.memory_space<vmem_shared>> -> memref<10016x48xf32, #tpu.memory_space<vmem_shared>>
    tpu.wait_indirect_dma semaphore(%arg19 : memref<!tpu.dma_semaphore, #tpu.memory_space<semaphore_mem>>) src(%arg10 : memref<128x48xf32, #tpu.memory_space<vmem>>) dst(%dma_wait3A_43 : memref<10016x48xf32, #tpu.memory_space<vmem_shared>>)
    %dma_wait3A_44 = arith.constant 0 : i32
    %dma_wait3A_45 = arith.constant 0 : i32
    %dma_wait3A_46 = tpu.memref_slice %arg7[%dma_wait3A_44, %dma_wait3A_45] : memref<80x128xi32, #tpu.memory_space<vmem>> -> memref<1x128xi32, #tpu.memory_space<vmem>>
    %dma_wait3A_47 = tpu.memref_squeeze %dma_wait3A_46 : memref<1x128xi32, #tpu.memory_space<vmem>> -> memref<128xi32, #tpu.memory_space<vmem>>
    %dma_wait3A_48 = arith.constant 0 : i32
    %dma_wait3A_49 = arith.constant 0 : i32
    %dma_wait3A_50 = tpu.memref_slice %arg12[%dma_wait3A_48, %dma_wait3A_49] : memref<10016x48xf32, #tpu.memory_space<vmem_shared>> -> memref<10016x48xf32, #tpu.memory_space<vmem_shared>>
    tpu.wait_indirect_dma semaphore(%arg20 : memref<!tpu.dma_semaphore, #tpu.memory_space<semaphore_mem>>) src(%arg11 : memref<128x48xf32, #tpu.memory_space<vmem>>) dst(%dma_wait3A_50 : memref<10016x48xf32, #tpu.memory_space<vmem_shared>>)
    %barrier3A_51 = arith.constant 0 : index
    tpu.barrier barrier_id(%barrier3A_51)
    %mul3A_52 = arith.constant 626 : i32
    %mul3A_53 = arith.muli %arg1, %mul3A_52 : i32
    %mul3A_54 = arith.constant 626 : i32
    %mul3A_55 = arith.muli %arg1, %mul3A_54 : i32
    "tpu.region"() ({
      %run_scoped3A_56 = tpu.sem_alloc : memref<!tpu.dma_semaphore, #tpu.memory_space<semaphore_mem>>
      %dma_start3A_57 = arith.constant 0 : i32
      %dma_start3A_58 = tpu.memref_slice %arg5[%arg0, %mul3A_55, %dma_start3A_57] : memref<2x10016x128xf32, #tpu.memory_space<hbm>> -> memref<1x626x48xf32, #tpu.memory_space<hbm>>
      %dma_start3A_59 = tpu.memref_squeeze %dma_start3A_58 : memref<1x626x48xf32, #tpu.memory_space<hbm>> -> memref<626x48xf32, #tpu.memory_space<hbm>>
      %dma_start3A_60 = arith.constant 0 : i32
      %dma_start3A_61 = tpu.memref_slice %arg12[%mul3A_53, %dma_start3A_60] : memref<10016x48xf32, #tpu.memory_space<vmem_shared>> -> memref<626x48xf32, #tpu.memory_space<vmem_shared>>
      tpu.enqueue_dma source(%dma_start3A_61 : memref<626x48xf32, #tpu.memory_space<vmem_shared>>) target(%dma_start3A_59 : memref<626x48xf32, #tpu.memory_space<hbm>>) target_semaphore(%run_scoped3A_56 : memref<!tpu.dma_semaphore, #tpu.memory_space<semaphore_mem>>)
      %dma_wait3A_62 = arith.constant 0 : i32
      %dma_wait3A_63 = tpu.memref_slice %arg5[%arg0, %mul3A_55, %dma_wait3A_62] : memref<2x10016x128xf32, #tpu.memory_space<hbm>> -> memref<1x626x48xf32, #tpu.memory_space<hbm>>
      %dma_wait3A_64 = tpu.memref_squeeze %dma_wait3A_63 : memref<1x626x48xf32, #tpu.memory_space<hbm>> -> memref<626x48xf32, #tpu.memory_space<hbm>>
      %dma_wait3A_65 = arith.constant 0 : i32
      %dma_wait3A_66 = tpu.memref_slice %arg12[%mul3A_53, %dma_wait3A_65] : memref<10016x48xf32, #tpu.memory_space<vmem_shared>> -> memref<626x48xf32, #tpu.memory_space<vmem_shared>>
      tpu.wait_dma2 semaphore(%run_scoped3A_56 : memref<!tpu.dma_semaphore, #tpu.memory_space<semaphore_mem>>) src(%dma_wait3A_66 : memref<626x48xf32, #tpu.memory_space<vmem_shared>>) dst(%dma_wait3A_64 : memref<626x48xf32, #tpu.memory_space<hbm>>)
      tpu.yield
    }) : () -> ()
    return
  }
}

#map = affine_map<(d0, d1) -> (0, 0)>
#map1 = affine_map<(d0, d1) -> (0, 0, 0)>
module attributes {stable_mosaic.version = 14 : i64} {
  func.func @_prop128_body(%arg0: i32, %arg1: i32, %arg2: memref<10000x128xf32, #tpu.memory_space<hbm>>, %arg3: memref<2x2560x128xi32, #tpu.memory_space<hbm>>, %arg4: memref<626x128xf32, #tpu.memory_space<hbm>>, %arg5: memref<2x10016x128xf32, #tpu.memory_space<hbm>>, %arg6: memref<40x128xi32, #tpu.memory_space<vmem>>, %arg7: memref<40x128xi32, #tpu.memory_space<vmem>>, %arg8: memref<128x128xf32, #tpu.memory_space<vmem>>, %arg9: memref<128x128xf32, #tpu.memory_space<vmem>>, %arg10: memref<10016x128xf32, #tpu.memory_space<vmem_shared>>, %arg11: memref<!tpu.dma_semaphore, #tpu.memory_space<semaphore_mem>>, %arg12: memref<!tpu.dma_semaphore, #tpu.memory_space<semaphore_mem>>) attributes {dimension_semantics = [#tpu.dimension_semantics<core_parallel>, #tpu.dimension_semantics<subcore_parallel>], iteration_bounds = array<i64: 2, 16>, scalar_prefetch = 0 : i64, scratch_operands = 7 : i64, tpu.core_type = #tpu.core_type<sc_vector_subcore>, window_params = [{transform_indices = #map}, {transform_indices = #map1}, {transform_indices = #map}, {transform_indices = #map1}]} {
    %mul3A = arith.constant 2 : i32
    %mul3A_0 = arith.muli %arg1, %mul3A : i32
    %add3A = arith.addi %mul3A_0, %arg0 : i32
    %mul3A_1 = arith.constant 626 : i32
    %mul3A_2 = arith.muli %arg1, %mul3A_1 : i32
    "tpu.region"() ({
      %run_scoped3A_57 = tpu.sem_alloc : memref<!tpu.dma_semaphore, #tpu.memory_space<semaphore_mem>>
      %dma_start3A_58 = arith.constant 0 : i32
      %dma_start3A_59 = tpu.memref_slice %arg10[%mul3A_2, %dma_start3A_58] : memref<10016x128xf32, #tpu.memory_space<vmem_shared>> -> memref<626x128xf32, #tpu.memory_space<vmem_shared>>
      tpu.enqueue_dma source(%arg4 : memref<626x128xf32, #tpu.memory_space<hbm>>) target(%dma_start3A_59 : memref<626x128xf32, #tpu.memory_space<vmem_shared>>) target_semaphore(%run_scoped3A_57 : memref<!tpu.dma_semaphore, #tpu.memory_space<semaphore_mem>>)
      %dma_wait3A = arith.constant 0 : i32
      %dma_wait3A_60 = tpu.memref_slice %arg10[%mul3A_2, %dma_wait3A] : memref<10016x128xf32, #tpu.memory_space<vmem_shared>> -> memref<626x128xf32, #tpu.memory_space<vmem_shared>>
      tpu.wait_dma2 semaphore(%run_scoped3A_57 : memref<!tpu.dma_semaphore, #tpu.memory_space<semaphore_mem>>) src(%arg4 : memref<626x128xf32, #tpu.memory_space<hbm>>) dst(%dma_wait3A_60 : memref<626x128xf32, #tpu.memory_space<vmem_shared>>)
      tpu.yield
    }) : () -> ()
    %mul3A_3 = arith.constant 80 : i32
    %mul3A_4 = arith.muli %add3A, %mul3A_3 : i32
    %add3A_5 = arith.constant 0 : i32
    %add3A_6 = arith.addi %mul3A_4, %add3A_5 : i32
    %run_scoped3A = arith.constant 0 : i32
    "tpu.region"() ({
      %run_scoped3A_57 = tpu.sem_alloc : memref<!tpu.dma_semaphore, #tpu.memory_space<semaphore_mem>>
      %dma_start3A_58 = arith.constant 0 : i32
      %dma_start3A_59 = tpu.memref_slice %arg3[%run_scoped3A, %add3A_6, %dma_start3A_58] : memref<2x2560x128xi32, #tpu.memory_space<hbm>> -> memref<1x40x128xi32, #tpu.memory_space<hbm>>
      %dma_start3A_60 = tpu.memref_squeeze %dma_start3A_59 : memref<1x40x128xi32, #tpu.memory_space<hbm>> -> memref<40x128xi32, #tpu.memory_space<hbm>>
      %dma_start3A_61 = arith.constant 0 : i32
      %dma_start3A_62 = tpu.memref_slice %arg3[%run_scoped3A, %add3A_6, %dma_start3A_61] : memref<2x2560x128xi32, #tpu.memory_space<hbm>> -> memref<1x40x128xi32, #tpu.memory_space<hbm>>
      %dma_start3A_63 = tpu.memref_squeeze %dma_start3A_62 : memref<1x40x128xi32, #tpu.memory_space<hbm>> -> memref<40x128xi32, #tpu.memory_space<hbm>>
      tpu.enqueue_dma source(%dma_start3A_63 : memref<40x128xi32, #tpu.memory_space<hbm>>) target(%arg6 : memref<40x128xi32, #tpu.memory_space<vmem>>) target_semaphore(%run_scoped3A_57 : memref<!tpu.dma_semaphore, #tpu.memory_space<semaphore_mem>>)
      %dma_wait3A = arith.constant 0 : i32
      %dma_wait3A_64 = tpu.memref_slice %arg3[%run_scoped3A, %add3A_6, %dma_wait3A] : memref<2x2560x128xi32, #tpu.memory_space<hbm>> -> memref<1x40x128xi32, #tpu.memory_space<hbm>>
      %dma_wait3A_65 = tpu.memref_squeeze %dma_wait3A_64 : memref<1x40x128xi32, #tpu.memory_space<hbm>> -> memref<40x128xi32, #tpu.memory_space<hbm>>
      %dma_wait3A_66 = arith.constant 0 : i32
      %dma_wait3A_67 = tpu.memref_slice %arg3[%run_scoped3A, %add3A_6, %dma_wait3A_66] : memref<2x2560x128xi32, #tpu.memory_space<hbm>> -> memref<1x40x128xi32, #tpu.memory_space<hbm>>
      %dma_wait3A_68 = tpu.memref_squeeze %dma_wait3A_67 : memref<1x40x128xi32, #tpu.memory_space<hbm>> -> memref<40x128xi32, #tpu.memory_space<hbm>>
      tpu.wait_dma2 semaphore(%run_scoped3A_57 : memref<!tpu.dma_semaphore, #tpu.memory_space<semaphore_mem>>) src(%dma_wait3A_68 : memref<40x128xi32, #tpu.memory_space<hbm>>) dst(%arg6 : memref<40x128xi32, #tpu.memory_space<vmem>>)
      tpu.yield
    }) : () -> ()
    %run_scoped3A_7 = arith.constant 1 : i32
    "tpu.region"() ({
      %run_scoped3A_57 = tpu.sem_alloc : memref<!tpu.dma_semaphore, #tpu.memory_space<semaphore_mem>>
      %dma_start3A_58 = arith.constant 0 : i32
      %dma_start3A_59 = tpu.memref_slice %arg3[%run_scoped3A_7, %add3A_6, %dma_start3A_58] : memref<2x2560x128xi32, #tpu.memory_space<hbm>> -> memref<1x40x128xi32, #tpu.memory_space<hbm>>
      %dma_start3A_60 = tpu.memref_squeeze %dma_start3A_59 : memref<1x40x128xi32, #tpu.memory_space<hbm>> -> memref<40x128xi32, #tpu.memory_space<hbm>>
      %dma_start3A_61 = arith.constant 0 : i32
      %dma_start3A_62 = tpu.memref_slice %arg3[%run_scoped3A_7, %add3A_6, %dma_start3A_61] : memref<2x2560x128xi32, #tpu.memory_space<hbm>> -> memref<1x40x128xi32, #tpu.memory_space<hbm>>
      %dma_start3A_63 = tpu.memref_squeeze %dma_start3A_62 : memref<1x40x128xi32, #tpu.memory_space<hbm>> -> memref<40x128xi32, #tpu.memory_space<hbm>>
      tpu.enqueue_dma source(%dma_start3A_63 : memref<40x128xi32, #tpu.memory_space<hbm>>) target(%arg7 : memref<40x128xi32, #tpu.memory_space<vmem>>) target_semaphore(%run_scoped3A_57 : memref<!tpu.dma_semaphore, #tpu.memory_space<semaphore_mem>>)
      %dma_wait3A = arith.constant 0 : i32
      %dma_wait3A_64 = tpu.memref_slice %arg3[%run_scoped3A_7, %add3A_6, %dma_wait3A] : memref<2x2560x128xi32, #tpu.memory_space<hbm>> -> memref<1x40x128xi32, #tpu.memory_space<hbm>>
      %dma_wait3A_65 = tpu.memref_squeeze %dma_wait3A_64 : memref<1x40x128xi32, #tpu.memory_space<hbm>> -> memref<40x128xi32, #tpu.memory_space<hbm>>
      %dma_wait3A_66 = arith.constant 0 : i32
      %dma_wait3A_67 = tpu.memref_slice %arg3[%run_scoped3A_7, %add3A_6, %dma_wait3A_66] : memref<2x2560x128xi32, #tpu.memory_space<hbm>> -> memref<1x40x128xi32, #tpu.memory_space<hbm>>
      %dma_wait3A_68 = tpu.memref_squeeze %dma_wait3A_67 : memref<1x40x128xi32, #tpu.memory_space<hbm>> -> memref<40x128xi32, #tpu.memory_space<hbm>>
      tpu.wait_dma2 semaphore(%run_scoped3A_57 : memref<!tpu.dma_semaphore, #tpu.memory_space<semaphore_mem>>) src(%dma_wait3A_68 : memref<40x128xi32, #tpu.memory_space<hbm>>) dst(%arg7 : memref<40x128xi32, #tpu.memory_space<vmem>>)
      tpu.yield
    }) : () -> ()
    %barrier3A = arith.constant 0 : index
    tpu.barrier barrier_id(%barrier3A)
    %dma_start3A = arith.constant 0 : i32
    %dma_start3A_8 = arith.constant 0 : i32
    %dma_start3A_9 = tpu.memref_slice %arg6[%dma_start3A, %dma_start3A_8] : memref<40x128xi32, #tpu.memory_space<vmem>> -> memref<1x128xi32, #tpu.memory_space<vmem>>
    %dma_start3A_10 = tpu.memref_squeeze %dma_start3A_9 : memref<1x128xi32, #tpu.memory_space<vmem>> -> memref<128xi32, #tpu.memory_space<vmem>>
    %dma_start3A_11 = arith.constant 0 : i32
    %dma_start3A_12 = arith.constant 0 : i32
    %dma_start3A_13 = tpu.memref_slice %arg2[%dma_start3A_11, %dma_start3A_12] : memref<10000x128xf32, #tpu.memory_space<hbm>> -> memref<10000x128xf32, #tpu.memory_space<hbm>>
    tpu.enqueue_indirect_dma source(%dma_start3A_13 : memref<10000x128xf32, #tpu.memory_space<hbm>>) target(%arg8 : memref<128x128xf32, #tpu.memory_space<vmem>>) offsets(%dma_start3A_10 : memref<128xi32, #tpu.memory_space<vmem>>) semaphore(%arg11 : memref<!tpu.dma_semaphore, #tpu.memory_space<semaphore_mem>>)
    %dma_start3A_14 = arith.constant 1 : i32
    %dma_start3A_15 = arith.constant 0 : i32
    %dma_start3A_16 = tpu.memref_slice %arg6[%dma_start3A_14, %dma_start3A_15] : memref<40x128xi32, #tpu.memory_space<vmem>> -> memref<1x128xi32, #tpu.memory_space<vmem>>
    %dma_start3A_17 = tpu.memref_squeeze %dma_start3A_16 : memref<1x128xi32, #tpu.memory_space<vmem>> -> memref<128xi32, #tpu.memory_space<vmem>>
    %dma_start3A_18 = arith.constant 0 : i32
    %dma_start3A_19 = arith.constant 0 : i32
    %dma_start3A_20 = tpu.memref_slice %arg2[%dma_start3A_18, %dma_start3A_19] : memref<10000x128xf32, #tpu.memory_space<hbm>> -> memref<10000x128xf32, #tpu.memory_space<hbm>>
    tpu.enqueue_indirect_dma source(%dma_start3A_20 : memref<10000x128xf32, #tpu.memory_space<hbm>>) target(%arg9 : memref<128x128xf32, #tpu.memory_space<vmem>>) offsets(%dma_start3A_17 : memref<128xi32, #tpu.memory_space<vmem>>) semaphore(%arg12 : memref<!tpu.dma_semaphore, #tpu.memory_space<semaphore_mem>>)
    %scan3A = arith.constant 0 : i32
    %scan3A_21 = arith.constant 0 : i32
    %scan3A_22 = arith.constant 40 : i32
    %scan3A_23 = arith.addi %scan3A_21, %scan3A_22 : i32
    %scan3A_24 = arith.constant 1 : i32
    scf.for %scan3A_57 = %scan3A_21 to %scan3A_23 step %scan3A_24  : i32 {
      %rem3A = arith.constant 2 : i32
      %rem3A_58 = arith.remsi %scan3A_57, %rem3A : i32
      %eq3A = arith.constant 0 : i32
      %eq3A_59 = arith.cmpi eq, %rem3A_58, %eq3A : i32
      %convert_element_type3A = arith.extui %eq3A_59 : i1 to i32
      %cond3A = arith.constant 0 : i32
      %cond3A_60 = arith.cmpi ne, %convert_element_type3A, %cond3A : i32
      scf.if %cond3A_60 {
        %dma_wait3A = arith.constant 0 : i32
        %dma_wait3A_68 = tpu.memref_slice %arg6[%scan3A_57, %dma_wait3A] : memref<40x128xi32, #tpu.memory_space<vmem>> -> memref<1x128xi32, #tpu.memory_space<vmem>>
        %dma_wait3A_69 = tpu.memref_squeeze %dma_wait3A_68 : memref<1x128xi32, #tpu.memory_space<vmem>> -> memref<128xi32, #tpu.memory_space<vmem>>
        %dma_wait3A_70 = arith.constant 0 : i32
        %dma_wait3A_71 = arith.constant 0 : i32
        %dma_wait3A_72 = tpu.memref_slice %arg2[%dma_wait3A_70, %dma_wait3A_71] : memref<10000x128xf32, #tpu.memory_space<hbm>> -> memref<10000x128xf32, #tpu.memory_space<hbm>>
        tpu.wait_indirect_dma semaphore(%arg11 : memref<!tpu.dma_semaphore, #tpu.memory_space<semaphore_mem>>) src(%dma_wait3A_72 : memref<10000x128xf32, #tpu.memory_space<hbm>>) dst(%arg8 : memref<128x128xf32, #tpu.memory_space<vmem>>)
        "tpu.region"() ({
          %run_scoped3A_79 = tpu.sem_alloc : memref<!tpu.dma_semaphore, #tpu.memory_space<semaphore_mem>>
          %dma_start3A_80 = arith.constant 0 : i32
          %dma_start3A_81 = tpu.memref_slice %arg7[%scan3A_57, %dma_start3A_80] : memref<40x128xi32, #tpu.memory_space<vmem>> -> memref<1x128xi32, #tpu.memory_space<vmem>>
          %dma_start3A_82 = tpu.memref_squeeze %dma_start3A_81 : memref<1x128xi32, #tpu.memory_space<vmem>> -> memref<128xi32, #tpu.memory_space<vmem>>
          %dma_start3A_83 = arith.constant 0 : i32
          %dma_start3A_84 = arith.constant 0 : i32
          %dma_start3A_85 = tpu.memref_slice %arg10[%dma_start3A_83, %dma_start3A_84] : memref<10016x128xf32, #tpu.memory_space<vmem_shared>> -> memref<10016x128xf32, #tpu.memory_space<vmem_shared>>
          tpu.enqueue_indirect_dma source(%arg8 : memref<128x128xf32, #tpu.memory_space<vmem>>) target(%dma_start3A_85 : memref<10016x128xf32, #tpu.memory_space<vmem_shared>>) offsets(%dma_start3A_82 : memref<128xi32, #tpu.memory_space<vmem>>) semaphore(%run_scoped3A_79 : memref<!tpu.dma_semaphore, #tpu.memory_space<semaphore_mem>>) {add = true}
          %dma_wait3A_86 = arith.constant 0 : i32
          %dma_wait3A_87 = tpu.memref_slice %arg7[%scan3A_57, %dma_wait3A_86] : memref<40x128xi32, #tpu.memory_space<vmem>> -> memref<1x128xi32, #tpu.memory_space<vmem>>
          %dma_wait3A_88 = tpu.memref_squeeze %dma_wait3A_87 : memref<1x128xi32, #tpu.memory_space<vmem>> -> memref<128xi32, #tpu.memory_space<vmem>>
          %dma_wait3A_89 = arith.constant 0 : i32
          %dma_wait3A_90 = arith.constant 0 : i32
          %dma_wait3A_91 = tpu.memref_slice %arg10[%dma_wait3A_89, %dma_wait3A_90] : memref<10016x128xf32, #tpu.memory_space<vmem_shared>> -> memref<10016x128xf32, #tpu.memory_space<vmem_shared>>
          tpu.wait_indirect_dma semaphore(%run_scoped3A_79 : memref<!tpu.dma_semaphore, #tpu.memory_space<semaphore_mem>>) src(%arg8 : memref<128x128xf32, #tpu.memory_space<vmem>>) dst(%dma_wait3A_91 : memref<10016x128xf32, #tpu.memory_space<vmem_shared>>)
          tpu.yield
        }) : () -> ()
        %add3A_73 = arith.constant 2 : i32
        %add3A_74 = arith.addi %scan3A_57, %add3A_73 : i32
        %lt3A = arith.constant 40 : i32
        %lt3A_75 = arith.cmpi slt, %add3A_74, %lt3A : i32
        %convert_element_type3A_76 = arith.extui %lt3A_75 : i1 to i32
        %cond3A_77 = arith.constant 0 : i32
        %cond3A_78 = arith.cmpi ne, %convert_element_type3A_76, %cond3A_77 : i32
        scf.if %cond3A_78 {
          %add3A_79 = arith.constant 2 : i32
          %add3A_80 = arith.addi %scan3A_57, %add3A_79 : i32
          %dma_start3A_81 = arith.constant 0 : i32
          %dma_start3A_82 = tpu.memref_slice %arg6[%add3A_80, %dma_start3A_81] : memref<40x128xi32, #tpu.memory_space<vmem>> -> memref<1x128xi32, #tpu.memory_space<vmem>>
          %dma_start3A_83 = tpu.memref_squeeze %dma_start3A_82 : memref<1x128xi32, #tpu.memory_space<vmem>> -> memref<128xi32, #tpu.memory_space<vmem>>
          %dma_start3A_84 = arith.constant 0 : i32
          %dma_start3A_85 = arith.constant 0 : i32
          %dma_start3A_86 = tpu.memref_slice %arg2[%dma_start3A_84, %dma_start3A_85] : memref<10000x128xf32, #tpu.memory_space<hbm>> -> memref<10000x128xf32, #tpu.memory_space<hbm>>
          tpu.enqueue_indirect_dma source(%dma_start3A_86 : memref<10000x128xf32, #tpu.memory_space<hbm>>) target(%arg8 : memref<128x128xf32, #tpu.memory_space<vmem>>) offsets(%dma_start3A_83 : memref<128xi32, #tpu.memory_space<vmem>>) semaphore(%arg11 : memref<!tpu.dma_semaphore, #tpu.memory_space<semaphore_mem>>)
        } else {
        }
      } else {
      }
      %rem3A_61 = arith.constant 2 : i32
      %rem3A_62 = arith.remsi %scan3A_57, %rem3A_61 : i32
      %eq3A_63 = arith.constant 1 : i32
      %eq3A_64 = arith.cmpi eq, %rem3A_62, %eq3A_63 : i32
      %convert_element_type3A_65 = arith.extui %eq3A_64 : i1 to i32
      %cond3A_66 = arith.constant 0 : i32
      %cond3A_67 = arith.cmpi ne, %convert_element_type3A_65, %cond3A_66 : i32
      scf.if %cond3A_67 {
        %dma_wait3A = arith.constant 0 : i32
        %dma_wait3A_68 = tpu.memref_slice %arg6[%scan3A_57, %dma_wait3A] : memref<40x128xi32, #tpu.memory_space<vmem>> -> memref<1x128xi32, #tpu.memory_space<vmem>>
        %dma_wait3A_69 = tpu.memref_squeeze %dma_wait3A_68 : memref<1x128xi32, #tpu.memory_space<vmem>> -> memref<128xi32, #tpu.memory_space<vmem>>
        %dma_wait3A_70 = arith.constant 0 : i32
        %dma_wait3A_71 = arith.constant 0 : i32
        %dma_wait3A_72 = tpu.memref_slice %arg2[%dma_wait3A_70, %dma_wait3A_71] : memref<10000x128xf32, #tpu.memory_space<hbm>> -> memref<10000x128xf32, #tpu.memory_space<hbm>>
        tpu.wait_indirect_dma semaphore(%arg12 : memref<!tpu.dma_semaphore, #tpu.memory_space<semaphore_mem>>) src(%dma_wait3A_72 : memref<10000x128xf32, #tpu.memory_space<hbm>>) dst(%arg9 : memref<128x128xf32, #tpu.memory_space<vmem>>)
        "tpu.region"() ({
          %run_scoped3A_79 = tpu.sem_alloc : memref<!tpu.dma_semaphore, #tpu.memory_space<semaphore_mem>>
          %dma_start3A_80 = arith.constant 0 : i32
          %dma_start3A_81 = tpu.memref_slice %arg7[%scan3A_57, %dma_start3A_80] : memref<40x128xi32, #tpu.memory_space<vmem>> -> memref<1x128xi32, #tpu.memory_space<vmem>>
          %dma_start3A_82 = tpu.memref_squeeze %dma_start3A_81 : memref<1x128xi32, #tpu.memory_space<vmem>> -> memref<128xi32, #tpu.memory_space<vmem>>
          %dma_start3A_83 = arith.constant 0 : i32
          %dma_start3A_84 = arith.constant 0 : i32
          %dma_start3A_85 = tpu.memref_slice %arg10[%dma_start3A_83, %dma_start3A_84] : memref<10016x128xf32, #tpu.memory_space<vmem_shared>> -> memref<10016x128xf32, #tpu.memory_space<vmem_shared>>
          tpu.enqueue_indirect_dma source(%arg9 : memref<128x128xf32, #tpu.memory_space<vmem>>) target(%dma_start3A_85 : memref<10016x128xf32, #tpu.memory_space<vmem_shared>>) offsets(%dma_start3A_82 : memref<128xi32, #tpu.memory_space<vmem>>) semaphore(%run_scoped3A_79 : memref<!tpu.dma_semaphore, #tpu.memory_space<semaphore_mem>>) {add = true}
          %dma_wait3A_86 = arith.constant 0 : i32
          %dma_wait3A_87 = tpu.memref_slice %arg7[%scan3A_57, %dma_wait3A_86] : memref<40x128xi32, #tpu.memory_space<vmem>> -> memref<1x128xi32, #tpu.memory_space<vmem>>
          %dma_wait3A_88 = tpu.memref_squeeze %dma_wait3A_87 : memref<1x128xi32, #tpu.memory_space<vmem>> -> memref<128xi32, #tpu.memory_space<vmem>>
          %dma_wait3A_89 = arith.constant 0 : i32
          %dma_wait3A_90 = arith.constant 0 : i32
          %dma_wait3A_91 = tpu.memref_slice %arg10[%dma_wait3A_89, %dma_wait3A_90] : memref<10016x128xf32, #tpu.memory_space<vmem_shared>> -> memref<10016x128xf32, #tpu.memory_space<vmem_shared>>
          tpu.wait_indirect_dma semaphore(%run_scoped3A_79 : memref<!tpu.dma_semaphore, #tpu.memory_space<semaphore_mem>>) src(%arg9 : memref<128x128xf32, #tpu.memory_space<vmem>>) dst(%dma_wait3A_91 : memref<10016x128xf32, #tpu.memory_space<vmem_shared>>)
          tpu.yield
        }) : () -> ()
        %add3A_73 = arith.constant 2 : i32
        %add3A_74 = arith.addi %scan3A_57, %add3A_73 : i32
        %lt3A = arith.constant 40 : i32
        %lt3A_75 = arith.cmpi slt, %add3A_74, %lt3A : i32
        %convert_element_type3A_76 = arith.extui %lt3A_75 : i1 to i32
        %cond3A_77 = arith.constant 0 : i32
        %cond3A_78 = arith.cmpi ne, %convert_element_type3A_76, %cond3A_77 : i32
        scf.if %cond3A_78 {
          %add3A_79 = arith.constant 2 : i32
          %add3A_80 = arith.addi %scan3A_57, %add3A_79 : i32
          %dma_start3A_81 = arith.constant 0 : i32
          %dma_start3A_82 = tpu.memref_slice %arg6[%add3A_80, %dma_start3A_81] : memref<40x128xi32, #tpu.memory_space<vmem>> -> memref<1x128xi32, #tpu.memory_space<vmem>>
          %dma_start3A_83 = tpu.memref_squeeze %dma_start3A_82 : memref<1x128xi32, #tpu.memory_space<vmem>> -> memref<128xi32, #tpu.memory_space<vmem>>
          %dma_start3A_84 = arith.constant 0 : i32
          %dma_start3A_85 = arith.constant 0 : i32
          %dma_start3A_86 = tpu.memref_slice %arg2[%dma_start3A_84, %dma_start3A_85] : memref<10000x128xf32, #tpu.memory_space<hbm>> -> memref<10000x128xf32, #tpu.memory_space<hbm>>
          tpu.enqueue_indirect_dma source(%dma_start3A_86 : memref<10000x128xf32, #tpu.memory_space<hbm>>) target(%arg9 : memref<128x128xf32, #tpu.memory_space<vmem>>) offsets(%dma_start3A_83 : memref<128xi32, #tpu.memory_space<vmem>>) semaphore(%arg12 : memref<!tpu.dma_semaphore, #tpu.memory_space<semaphore_mem>>)
        } else {
        }
      } else {
      }
    }
    %scan3A_25 = arith.constant 40 : i32
    %mul3A_26 = arith.constant 80 : i32
    %mul3A_27 = arith.muli %add3A, %mul3A_26 : i32
    %add3A_28 = arith.constant 40 : i32
    %add3A_29 = arith.addi %mul3A_27, %add3A_28 : i32
    %run_scoped3A_30 = arith.constant 0 : i32
    "tpu.region"() ({
      %run_scoped3A_57 = tpu.sem_alloc : memref<!tpu.dma_semaphore, #tpu.memory_space<semaphore_mem>>
      %dma_start3A_58 = arith.constant 0 : i32
      %dma_start3A_59 = tpu.memref_slice %arg3[%run_scoped3A_30, %add3A_29, %dma_start3A_58] : memref<2x2560x128xi32, #tpu.memory_space<hbm>> -> memref<1x40x128xi32, #tpu.memory_space<hbm>>
      %dma_start3A_60 = tpu.memref_squeeze %dma_start3A_59 : memref<1x40x128xi32, #tpu.memory_space<hbm>> -> memref<40x128xi32, #tpu.memory_space<hbm>>
      %dma_start3A_61 = arith.constant 0 : i32
      %dma_start3A_62 = tpu.memref_slice %arg3[%run_scoped3A_30, %add3A_29, %dma_start3A_61] : memref<2x2560x128xi32, #tpu.memory_space<hbm>> -> memref<1x40x128xi32, #tpu.memory_space<hbm>>
      %dma_start3A_63 = tpu.memref_squeeze %dma_start3A_62 : memref<1x40x128xi32, #tpu.memory_space<hbm>> -> memref<40x128xi32, #tpu.memory_space<hbm>>
      tpu.enqueue_dma source(%dma_start3A_63 : memref<40x128xi32, #tpu.memory_space<hbm>>) target(%arg6 : memref<40x128xi32, #tpu.memory_space<vmem>>) target_semaphore(%run_scoped3A_57 : memref<!tpu.dma_semaphore, #tpu.memory_space<semaphore_mem>>)
      %dma_wait3A = arith.constant 0 : i32
      %dma_wait3A_64 = tpu.memref_slice %arg3[%run_scoped3A_30, %add3A_29, %dma_wait3A] : memref<2x2560x128xi32, #tpu.memory_space<hbm>> -> memref<1x40x128xi32, #tpu.memory_space<hbm>>
      %dma_wait3A_65 = tpu.memref_squeeze %dma_wait3A_64 : memref<1x40x128xi32, #tpu.memory_space<hbm>> -> memref<40x128xi32, #tpu.memory_space<hbm>>
      %dma_wait3A_66 = arith.constant 0 : i32
      %dma_wait3A_67 = tpu.memref_slice %arg3[%run_scoped3A_30, %add3A_29, %dma_wait3A_66] : memref<2x2560x128xi32, #tpu.memory_space<hbm>> -> memref<1x40x128xi32, #tpu.memory_space<hbm>>
      %dma_wait3A_68 = tpu.memref_squeeze %dma_wait3A_67 : memref<1x40x128xi32, #tpu.memory_space<hbm>> -> memref<40x128xi32, #tpu.memory_space<hbm>>
      tpu.wait_dma2 semaphore(%run_scoped3A_57 : memref<!tpu.dma_semaphore, #tpu.memory_space<semaphore_mem>>) src(%dma_wait3A_68 : memref<40x128xi32, #tpu.memory_space<hbm>>) dst(%arg6 : memref<40x128xi32, #tpu.memory_space<vmem>>)
      tpu.yield
    }) : () -> ()
    %run_scoped3A_31 = arith.constant 1 : i32
    "tpu.region"() ({
      %run_scoped3A_57 = tpu.sem_alloc : memref<!tpu.dma_semaphore, #tpu.memory_space<semaphore_mem>>
      %dma_start3A_58 = arith.constant 0 : i32
      %dma_start3A_59 = tpu.memref_slice %arg3[%run_scoped3A_31, %add3A_29, %dma_start3A_58] : memref<2x2560x128xi32, #tpu.memory_space<hbm>> -> memref<1x40x128xi32, #tpu.memory_space<hbm>>
      %dma_start3A_60 = tpu.memref_squeeze %dma_start3A_59 : memref<1x40x128xi32, #tpu.memory_space<hbm>> -> memref<40x128xi32, #tpu.memory_space<hbm>>
      %dma_start3A_61 = arith.constant 0 : i32
      %dma_start3A_62 = tpu.memref_slice %arg3[%run_scoped3A_31, %add3A_29, %dma_start3A_61] : memref<2x2560x128xi32, #tpu.memory_space<hbm>> -> memref<1x40x128xi32, #tpu.memory_space<hbm>>
      %dma_start3A_63 = tpu.memref_squeeze %dma_start3A_62 : memref<1x40x128xi32, #tpu.memory_space<hbm>> -> memref<40x128xi32, #tpu.memory_space<hbm>>
      tpu.enqueue_dma source(%dma_start3A_63 : memref<40x128xi32, #tpu.memory_space<hbm>>) target(%arg7 : memref<40x128xi32, #tpu.memory_space<vmem>>) target_semaphore(%run_scoped3A_57 : memref<!tpu.dma_semaphore, #tpu.memory_space<semaphore_mem>>)
      %dma_wait3A = arith.constant 0 : i32
      %dma_wait3A_64 = tpu.memref_slice %arg3[%run_scoped3A_31, %add3A_29, %dma_wait3A] : memref<2x2560x128xi32, #tpu.memory_space<hbm>> -> memref<1x40x128xi32, #tpu.memory_space<hbm>>
      %dma_wait3A_65 = tpu.memref_squeeze %dma_wait3A_64 : memref<1x40x128xi32, #tpu.memory_space<hbm>> -> memref<40x128xi32, #tpu.memory_space<hbm>>
      %dma_wait3A_66 = arith.constant 0 : i32
      %dma_wait3A_67 = tpu.memref_slice %arg3[%run_scoped3A_31, %add3A_29, %dma_wait3A_66] : memref<2x2560x128xi32, #tpu.memory_space<hbm>> -> memref<1x40x128xi32, #tpu.memory_space<hbm>>
      %dma_wait3A_68 = tpu.memref_squeeze %dma_wait3A_67 : memref<1x40x128xi32, #tpu.memory_space<hbm>> -> memref<40x128xi32, #tpu.memory_space<hbm>>
      tpu.wait_dma2 semaphore(%run_scoped3A_57 : memref<!tpu.dma_semaphore, #tpu.memory_space<semaphore_mem>>) src(%dma_wait3A_68 : memref<40x128xi32, #tpu.memory_space<hbm>>) dst(%arg7 : memref<40x128xi32, #tpu.memory_space<vmem>>)
      tpu.yield
    }) : () -> ()
    %dma_start3A_32 = arith.constant 0 : i32
    %dma_start3A_33 = arith.constant 0 : i32
    %dma_start3A_34 = tpu.memref_slice %arg6[%dma_start3A_32, %dma_start3A_33] : memref<40x128xi32, #tpu.memory_space<vmem>> -> memref<1x128xi32, #tpu.memory_space<vmem>>
    %dma_start3A_35 = tpu.memref_squeeze %dma_start3A_34 : memref<1x128xi32, #tpu.memory_space<vmem>> -> memref<128xi32, #tpu.memory_space<vmem>>
    %dma_start3A_36 = arith.constant 0 : i32
    %dma_start3A_37 = arith.constant 0 : i32
    %dma_start3A_38 = tpu.memref_slice %arg2[%dma_start3A_36, %dma_start3A_37] : memref<10000x128xf32, #tpu.memory_space<hbm>> -> memref<10000x128xf32, #tpu.memory_space<hbm>>
    tpu.enqueue_indirect_dma source(%dma_start3A_38 : memref<10000x128xf32, #tpu.memory_space<hbm>>) target(%arg8 : memref<128x128xf32, #tpu.memory_space<vmem>>) offsets(%dma_start3A_35 : memref<128xi32, #tpu.memory_space<vmem>>) semaphore(%arg11 : memref<!tpu.dma_semaphore, #tpu.memory_space<semaphore_mem>>)
    %dma_start3A_39 = arith.constant 1 : i32
    %dma_start3A_40 = arith.constant 0 : i32
    %dma_start3A_41 = tpu.memref_slice %arg6[%dma_start3A_39, %dma_start3A_40] : memref<40x128xi32, #tpu.memory_space<vmem>> -> memref<1x128xi32, #tpu.memory_space<vmem>>
    %dma_start3A_42 = tpu.memref_squeeze %dma_start3A_41 : memref<1x128xi32, #tpu.memory_space<vmem>> -> memref<128xi32, #tpu.memory_space<vmem>>
    %dma_start3A_43 = arith.constant 0 : i32
    %dma_start3A_44 = arith.constant 0 : i32
    %dma_start3A_45 = tpu.memref_slice %arg2[%dma_start3A_43, %dma_start3A_44] : memref<10000x128xf32, #tpu.memory_space<hbm>> -> memref<10000x128xf32, #tpu.memory_space<hbm>>
    tpu.enqueue_indirect_dma source(%dma_start3A_45 : memref<10000x128xf32, #tpu.memory_space<hbm>>) target(%arg9 : memref<128x128xf32, #tpu.memory_space<vmem>>) offsets(%dma_start3A_42 : memref<128xi32, #tpu.memory_space<vmem>>) semaphore(%arg12 : memref<!tpu.dma_semaphore, #tpu.memory_space<semaphore_mem>>)
    %scan3A_46 = arith.constant 0 : i32
    %scan3A_47 = arith.constant 0 : i32
    %scan3A_48 = arith.constant 40 : i32
    %scan3A_49 = arith.addi %scan3A_47, %scan3A_48 : i32
    %scan3A_50 = arith.constant 1 : i32
    scf.for %scan3A_57 = %scan3A_47 to %scan3A_49 step %scan3A_50  : i32 {
      %rem3A = arith.constant 2 : i32
      %rem3A_58 = arith.remsi %scan3A_57, %rem3A : i32
      %eq3A = arith.constant 0 : i32
      %eq3A_59 = arith.cmpi eq, %rem3A_58, %eq3A : i32
      %convert_element_type3A = arith.extui %eq3A_59 : i1 to i32
      %cond3A = arith.constant 0 : i32
      %cond3A_60 = arith.cmpi ne, %convert_element_type3A, %cond3A : i32
      scf.if %cond3A_60 {
        %dma_wait3A = arith.constant 0 : i32
        %dma_wait3A_68 = tpu.memref_slice %arg6[%scan3A_57, %dma_wait3A] : memref<40x128xi32, #tpu.memory_space<vmem>> -> memref<1x128xi32, #tpu.memory_space<vmem>>
        %dma_wait3A_69 = tpu.memref_squeeze %dma_wait3A_68 : memref<1x128xi32, #tpu.memory_space<vmem>> -> memref<128xi32, #tpu.memory_space<vmem>>
        %dma_wait3A_70 = arith.constant 0 : i32
        %dma_wait3A_71 = arith.constant 0 : i32
        %dma_wait3A_72 = tpu.memref_slice %arg2[%dma_wait3A_70, %dma_wait3A_71] : memref<10000x128xf32, #tpu.memory_space<hbm>> -> memref<10000x128xf32, #tpu.memory_space<hbm>>
        tpu.wait_indirect_dma semaphore(%arg11 : memref<!tpu.dma_semaphore, #tpu.memory_space<semaphore_mem>>) src(%dma_wait3A_72 : memref<10000x128xf32, #tpu.memory_space<hbm>>) dst(%arg8 : memref<128x128xf32, #tpu.memory_space<vmem>>)
        "tpu.region"() ({
          %run_scoped3A_79 = tpu.sem_alloc : memref<!tpu.dma_semaphore, #tpu.memory_space<semaphore_mem>>
          %dma_start3A_80 = arith.constant 0 : i32
          %dma_start3A_81 = tpu.memref_slice %arg7[%scan3A_57, %dma_start3A_80] : memref<40x128xi32, #tpu.memory_space<vmem>> -> memref<1x128xi32, #tpu.memory_space<vmem>>
          %dma_start3A_82 = tpu.memref_squeeze %dma_start3A_81 : memref<1x128xi32, #tpu.memory_space<vmem>> -> memref<128xi32, #tpu.memory_space<vmem>>
          %dma_start3A_83 = arith.constant 0 : i32
          %dma_start3A_84 = arith.constant 0 : i32
          %dma_start3A_85 = tpu.memref_slice %arg10[%dma_start3A_83, %dma_start3A_84] : memref<10016x128xf32, #tpu.memory_space<vmem_shared>> -> memref<10016x128xf32, #tpu.memory_space<vmem_shared>>
          tpu.enqueue_indirect_dma source(%arg8 : memref<128x128xf32, #tpu.memory_space<vmem>>) target(%dma_start3A_85 : memref<10016x128xf32, #tpu.memory_space<vmem_shared>>) offsets(%dma_start3A_82 : memref<128xi32, #tpu.memory_space<vmem>>) semaphore(%run_scoped3A_79 : memref<!tpu.dma_semaphore, #tpu.memory_space<semaphore_mem>>) {add = true}
          %dma_wait3A_86 = arith.constant 0 : i32
          %dma_wait3A_87 = tpu.memref_slice %arg7[%scan3A_57, %dma_wait3A_86] : memref<40x128xi32, #tpu.memory_space<vmem>> -> memref<1x128xi32, #tpu.memory_space<vmem>>
          %dma_wait3A_88 = tpu.memref_squeeze %dma_wait3A_87 : memref<1x128xi32, #tpu.memory_space<vmem>> -> memref<128xi32, #tpu.memory_space<vmem>>
          %dma_wait3A_89 = arith.constant 0 : i32
          %dma_wait3A_90 = arith.constant 0 : i32
          %dma_wait3A_91 = tpu.memref_slice %arg10[%dma_wait3A_89, %dma_wait3A_90] : memref<10016x128xf32, #tpu.memory_space<vmem_shared>> -> memref<10016x128xf32, #tpu.memory_space<vmem_shared>>
          tpu.wait_indirect_dma semaphore(%run_scoped3A_79 : memref<!tpu.dma_semaphore, #tpu.memory_space<semaphore_mem>>) src(%arg8 : memref<128x128xf32, #tpu.memory_space<vmem>>) dst(%dma_wait3A_91 : memref<10016x128xf32, #tpu.memory_space<vmem_shared>>)
          tpu.yield
        }) : () -> ()
        %add3A_73 = arith.constant 2 : i32
        %add3A_74 = arith.addi %scan3A_57, %add3A_73 : i32
        %lt3A = arith.constant 40 : i32
        %lt3A_75 = arith.cmpi slt, %add3A_74, %lt3A : i32
        %convert_element_type3A_76 = arith.extui %lt3A_75 : i1 to i32
        %cond3A_77 = arith.constant 0 : i32
        %cond3A_78 = arith.cmpi ne, %convert_element_type3A_76, %cond3A_77 : i32
        scf.if %cond3A_78 {
          %add3A_79 = arith.constant 2 : i32
          %add3A_80 = arith.addi %scan3A_57, %add3A_79 : i32
          %dma_start3A_81 = arith.constant 0 : i32
          %dma_start3A_82 = tpu.memref_slice %arg6[%add3A_80, %dma_start3A_81] : memref<40x128xi32, #tpu.memory_space<vmem>> -> memref<1x128xi32, #tpu.memory_space<vmem>>
          %dma_start3A_83 = tpu.memref_squeeze %dma_start3A_82 : memref<1x128xi32, #tpu.memory_space<vmem>> -> memref<128xi32, #tpu.memory_space<vmem>>
          %dma_start3A_84 = arith.constant 0 : i32
          %dma_start3A_85 = arith.constant 0 : i32
          %dma_start3A_86 = tpu.memref_slice %arg2[%dma_start3A_84, %dma_start3A_85] : memref<10000x128xf32, #tpu.memory_space<hbm>> -> memref<10000x128xf32, #tpu.memory_space<hbm>>
          tpu.enqueue_indirect_dma source(%dma_start3A_86 : memref<10000x128xf32, #tpu.memory_space<hbm>>) target(%arg8 : memref<128x128xf32, #tpu.memory_space<vmem>>) offsets(%dma_start3A_83 : memref<128xi32, #tpu.memory_space<vmem>>) semaphore(%arg11 : memref<!tpu.dma_semaphore, #tpu.memory_space<semaphore_mem>>)
        } else {
        }
      } else {
      }
      %rem3A_61 = arith.constant 2 : i32
      %rem3A_62 = arith.remsi %scan3A_57, %rem3A_61 : i32
      %eq3A_63 = arith.constant 1 : i32
      %eq3A_64 = arith.cmpi eq, %rem3A_62, %eq3A_63 : i32
      %convert_element_type3A_65 = arith.extui %eq3A_64 : i1 to i32
      %cond3A_66 = arith.constant 0 : i32
      %cond3A_67 = arith.cmpi ne, %convert_element_type3A_65, %cond3A_66 : i32
      scf.if %cond3A_67 {
        %dma_wait3A = arith.constant 0 : i32
        %dma_wait3A_68 = tpu.memref_slice %arg6[%scan3A_57, %dma_wait3A] : memref<40x128xi32, #tpu.memory_space<vmem>> -> memref<1x128xi32, #tpu.memory_space<vmem>>
        %dma_wait3A_69 = tpu.memref_squeeze %dma_wait3A_68 : memref<1x128xi32, #tpu.memory_space<vmem>> -> memref<128xi32, #tpu.memory_space<vmem>>
        %dma_wait3A_70 = arith.constant 0 : i32
        %dma_wait3A_71 = arith.constant 0 : i32
        %dma_wait3A_72 = tpu.memref_slice %arg2[%dma_wait3A_70, %dma_wait3A_71] : memref<10000x128xf32, #tpu.memory_space<hbm>> -> memref<10000x128xf32, #tpu.memory_space<hbm>>
        tpu.wait_indirect_dma semaphore(%arg12 : memref<!tpu.dma_semaphore, #tpu.memory_space<semaphore_mem>>) src(%dma_wait3A_72 : memref<10000x128xf32, #tpu.memory_space<hbm>>) dst(%arg9 : memref<128x128xf32, #tpu.memory_space<vmem>>)
        "tpu.region"() ({
          %run_scoped3A_79 = tpu.sem_alloc : memref<!tpu.dma_semaphore, #tpu.memory_space<semaphore_mem>>
          %dma_start3A_80 = arith.constant 0 : i32
          %dma_start3A_81 = tpu.memref_slice %arg7[%scan3A_57, %dma_start3A_80] : memref<40x128xi32, #tpu.memory_space<vmem>> -> memref<1x128xi32, #tpu.memory_space<vmem>>
          %dma_start3A_82 = tpu.memref_squeeze %dma_start3A_81 : memref<1x128xi32, #tpu.memory_space<vmem>> -> memref<128xi32, #tpu.memory_space<vmem>>
          %dma_start3A_83 = arith.constant 0 : i32
          %dma_start3A_84 = arith.constant 0 : i32
          %dma_start3A_85 = tpu.memref_slice %arg10[%dma_start3A_83, %dma_start3A_84] : memref<10016x128xf32, #tpu.memory_space<vmem_shared>> -> memref<10016x128xf32, #tpu.memory_space<vmem_shared>>
          tpu.enqueue_indirect_dma source(%arg9 : memref<128x128xf32, #tpu.memory_space<vmem>>) target(%dma_start3A_85 : memref<10016x128xf32, #tpu.memory_space<vmem_shared>>) offsets(%dma_start3A_82 : memref<128xi32, #tpu.memory_space<vmem>>) semaphore(%run_scoped3A_79 : memref<!tpu.dma_semaphore, #tpu.memory_space<semaphore_mem>>) {add = true}
          %dma_wait3A_86 = arith.constant 0 : i32
          %dma_wait3A_87 = tpu.memref_slice %arg7[%scan3A_57, %dma_wait3A_86] : memref<40x128xi32, #tpu.memory_space<vmem>> -> memref<1x128xi32, #tpu.memory_space<vmem>>
          %dma_wait3A_88 = tpu.memref_squeeze %dma_wait3A_87 : memref<1x128xi32, #tpu.memory_space<vmem>> -> memref<128xi32, #tpu.memory_space<vmem>>
          %dma_wait3A_89 = arith.constant 0 : i32
          %dma_wait3A_90 = arith.constant 0 : i32
          %dma_wait3A_91 = tpu.memref_slice %arg10[%dma_wait3A_89, %dma_wait3A_90] : memref<10016x128xf32, #tpu.memory_space<vmem_shared>> -> memref<10016x128xf32, #tpu.memory_space<vmem_shared>>
          tpu.wait_indirect_dma semaphore(%run_scoped3A_79 : memref<!tpu.dma_semaphore, #tpu.memory_space<semaphore_mem>>) src(%arg9 : memref<128x128xf32, #tpu.memory_space<vmem>>) dst(%dma_wait3A_91 : memref<10016x128xf32, #tpu.memory_space<vmem_shared>>)
          tpu.yield
        }) : () -> ()
        %add3A_73 = arith.constant 2 : i32
        %add3A_74 = arith.addi %scan3A_57, %add3A_73 : i32
        %lt3A = arith.constant 40 : i32
        %lt3A_75 = arith.cmpi slt, %add3A_74, %lt3A : i32
        %convert_element_type3A_76 = arith.extui %lt3A_75 : i1 to i32
        %cond3A_77 = arith.constant 0 : i32
        %cond3A_78 = arith.cmpi ne, %convert_element_type3A_76, %cond3A_77 : i32
        scf.if %cond3A_78 {
          %add3A_79 = arith.constant 2 : i32
          %add3A_80 = arith.addi %scan3A_57, %add3A_79 : i32
          %dma_start3A_81 = arith.constant 0 : i32
          %dma_start3A_82 = tpu.memref_slice %arg6[%add3A_80, %dma_start3A_81] : memref<40x128xi32, #tpu.memory_space<vmem>> -> memref<1x128xi32, #tpu.memory_space<vmem>>
          %dma_start3A_83 = tpu.memref_squeeze %dma_start3A_82 : memref<1x128xi32, #tpu.memory_space<vmem>> -> memref<128xi32, #tpu.memory_space<vmem>>
          %dma_start3A_84 = arith.constant 0 : i32
          %dma_start3A_85 = arith.constant 0 : i32
          %dma_start3A_86 = tpu.memref_slice %arg2[%dma_start3A_84, %dma_start3A_85] : memref<10000x128xf32, #tpu.memory_space<hbm>> -> memref<10000x128xf32, #tpu.memory_space<hbm>>
          tpu.enqueue_indirect_dma source(%dma_start3A_86 : memref<10000x128xf32, #tpu.memory_space<hbm>>) target(%arg9 : memref<128x128xf32, #tpu.memory_space<vmem>>) offsets(%dma_start3A_83 : memref<128xi32, #tpu.memory_space<vmem>>) semaphore(%arg12 : memref<!tpu.dma_semaphore, #tpu.memory_space<semaphore_mem>>)
        } else {
        }
      } else {
      }
    }
    %scan3A_51 = arith.constant 40 : i32
    %barrier3A_52 = arith.constant 0 : index
    tpu.barrier barrier_id(%barrier3A_52)
    %mul3A_53 = arith.constant 626 : i32
    %mul3A_54 = arith.muli %arg1, %mul3A_53 : i32
    %mul3A_55 = arith.constant 626 : i32
    %mul3A_56 = arith.muli %arg1, %mul3A_55 : i32
    "tpu.region"() ({
      %run_scoped3A_57 = tpu.sem_alloc : memref<!tpu.dma_semaphore, #tpu.memory_space<semaphore_mem>>
      %dma_start3A_58 = arith.constant 0 : i32
      %dma_start3A_59 = tpu.memref_slice %arg5[%arg0, %mul3A_56, %dma_start3A_58] : memref<2x10016x128xf32, #tpu.memory_space<hbm>> -> memref<1x626x128xf32, #tpu.memory_space<hbm>>
      %dma_start3A_60 = tpu.memref_squeeze %dma_start3A_59 : memref<1x626x128xf32, #tpu.memory_space<hbm>> -> memref<626x128xf32, #tpu.memory_space<hbm>>
      %dma_start3A_61 = arith.constant 0 : i32
      %dma_start3A_62 = tpu.memref_slice %arg10[%mul3A_54, %dma_start3A_61] : memref<10016x128xf32, #tpu.memory_space<vmem_shared>> -> memref<626x128xf32, #tpu.memory_space<vmem_shared>>
      tpu.enqueue_dma source(%dma_start3A_62 : memref<626x128xf32, #tpu.memory_space<vmem_shared>>) target(%dma_start3A_60 : memref<626x128xf32, #tpu.memory_space<hbm>>) target_semaphore(%run_scoped3A_57 : memref<!tpu.dma_semaphore, #tpu.memory_space<semaphore_mem>>)
      %dma_wait3A = arith.constant 0 : i32
      %dma_wait3A_63 = tpu.memref_slice %arg5[%arg0, %mul3A_56, %dma_wait3A] : memref<2x10016x128xf32, #tpu.memory_space<hbm>> -> memref<1x626x128xf32, #tpu.memory_space<hbm>>
      %dma_wait3A_64 = tpu.memref_squeeze %dma_wait3A_63 : memref<1x626x128xf32, #tpu.memory_space<hbm>> -> memref<626x128xf32, #tpu.memory_space<hbm>>
      %dma_wait3A_65 = arith.constant 0 : i32
      %dma_wait3A_66 = tpu.memref_slice %arg10[%mul3A_54, %dma_wait3A_65] : memref<10016x128xf32, #tpu.memory_space<vmem_shared>> -> memref<626x128xf32, #tpu.memory_space<vmem_shared>>
      tpu.wait_dma2 semaphore(%run_scoped3A_57 : memref<!tpu.dma_semaphore, #tpu.memory_space<semaphore_mem>>) src(%dma_wait3A_66 : memref<626x128xf32, #tpu.memory_space<vmem_shared>>) dst(%dma_wait3A_64 : memref<626x128xf32, #tpu.memory_space<hbm>>)
      tpu.yield
    }) : () -> ()
    return
  }
}

module attributes {stable_mosaic.version = 14 : i64} {
  func.func @_tc0_kernel(%arg0: i32, %arg1: memref<2000x128xf32, #tpu.memory_space<vmem>>, %arg2: memref<128x128xf32, #tpu.memory_space<vmem>>, %arg3: memref<1x128xf32, #tpu.memory_space<vmem>>, %arg4: memref<2000x128xf32, #tpu.memory_space<vmem>>) attributes {dimension_semantics = [#tpu.dimension_semantics<arbitrary>], iteration_bounds = array<i64: 5>, scalar_prefetch = 0 : i64, scratch_operands = 0 : i64, tpu.core_type = #tpu.core_type<tc>, window_params = [{transform_indices = @transform_0, window_bounds = array<i64: 2000, 128>}, {pipeline_mode = #tpu.pipeline_mode<synchronous>, transform_indices = @transform_1, window_bounds = array<i64: 128, 128>}, {pipeline_mode = #tpu.pipeline_mode<synchronous>, transform_indices = @transform_2, window_bounds = array<i64: 1, 128>}, {transform_indices = @transform_3, window_bounds = array<i64: 2000, 128>}]} {
    %get3A = arith.constant 0 : index
    %get3A_0 = arith.constant 0 : index
    %get3A_1 = vector.load %arg1[%get3A, %get3A_0] : memref<2000x128xf32, #tpu.memory_space<vmem>>, vector<2000x128xf32>
    %get3A_2 = arith.constant 0 : index
    %get3A_3 = arith.constant 0 : index
    %get3A_4 = vector.load %arg2[%get3A_2, %get3A_3] : memref<128x128xf32, #tpu.memory_space<vmem>>, vector<128x128xf32>
    %dot_general3A = arith.constant dense<0.000000e+00> : vector<2000x128xf32>
    %dot_general3A_5 = tpu.matmul %get3A_1, %get3A_4, %dot_general3A {dimension_numbers = #tpu.dot_dimension_numbers<[1], [0], [0], [1], [0, 0, 1, 1], [], []>, transpose_lhs_hint = false} : vector<2000x128xf32>, vector<128x128xf32>, vector<2000x128xf32> -> vector<2000x128xf32>
    %get3A_6 = arith.constant 0 : index
    %get3A_7 = arith.constant 0 : index
    %get3A_8 = vector.load %arg3[%get3A_6, %get3A_7] : memref<1x128xf32, #tpu.memory_space<vmem>>, vector<1x128xf32>
    %add3A = vector.broadcast %get3A_8 : vector<1x128xf32> to vector<2000x128xf32>
    %add3A_9 = arith.addf %dot_general3A_5, %add3A : vector<2000x128xf32>
    %swap3A = arith.constant 0 : index
    %swap3A_10 = arith.constant 0 : index
    %swap3A_11 = vector.load %arg4[%swap3A, %swap3A_10] : memref<2000x128xf32, #tpu.memory_space<vmem>>, vector<2000x128xf32>
    tpu.vector_store %arg4[%swap3A, %swap3A_10], %add3A_9 {strides = array<i32>} : memref<2000x128xf32, #tpu.memory_space<vmem>>, vector<2000x128xf32>,
    return
  }
  func.func @transform_0(%arg0: i32) -> (i32, i32) {
    %c0_i32 = arith.constant 0 : i32
    %c0_i32_0 = arith.constant 0 : i32
    return %arg0, %c0_i32 : i32, i32
  }
  func.func @transform_1(%arg0: i32) -> (i32, i32) {
    %c0_i32 = arith.constant 0 : i32
    %c0_i32_0 = arith.constant 0 : i32
    %c0_i32_1 = arith.constant 0 : i32
    return %c0_i32, %c0_i32_0 : i32, i32
  }
  func.func @transform_2(%arg0: i32) -> (i32, i32) {
    %c0_i32 = arith.constant 0 : i32
    %c0_i32_0 = arith.constant 0 : i32
    %c0_i32_1 = arith.constant 0 : i32
    return %c0_i32, %c0_i32_0 : i32, i32
  }
  func.func @transform_3(%arg0: i32) -> (i32, i32) {
    %c0_i32 = arith.constant 0 : i32
    %c0_i32_0 = arith.constant 0 : i32
    return %arg0, %c0_i32 : i32, i32
  }
}

module attributes {stable_mosaic.version = 14 : i64} {
  func.func @_tc1_kernel(%arg0: i32, %arg1: memref<2000x128xf32, #tpu.memory_space<vmem>>, %arg2: memref<2x2000x128xf32, #tpu.memory_space<vmem>>, %arg3: memref<2000x128xf32, #tpu.memory_space<vmem>>, %arg4: memref<2000x128xf32, #tpu.memory_space<vmem>>) attributes {dimension_semantics = [#tpu.dimension_semantics<arbitrary>], iteration_bounds = array<i64: 5>, scalar_prefetch = 0 : i64, scratch_operands = 0 : i64, tpu.core_type = #tpu.core_type<tc>, window_params = [{transform_indices = @transform_0, window_bounds = array<i64: 2000, 128>}, {transform_indices = @transform_1, window_bounds = array<i64: 2, 2000, 128>}, {transform_indices = @transform_2, window_bounds = array<i64: 2000, 128>}, {transform_indices = @transform_3, window_bounds = array<i64: 2000, 128>}]} {
    %get3A = arith.constant 0 : index
    %get3A_0 = arith.constant 0 : index
    %get3A_1 = arith.constant 0 : index
    %get3A_2 = vector.load %arg2[%get3A, %get3A_0, %get3A_1] : memref<2x2000x128xf32, #tpu.memory_space<vmem>>, vector<1x2000x1xf32>
    %get3A_3 = vector.shape_cast %get3A_2 : vector<1x2000x1xf32> to vector<2000xf32>
    %get3A_4 = arith.constant 1 : index
    %get3A_5 = arith.constant 0 : index
    %get3A_6 = arith.constant 0 : index
    %get3A_7 = vector.load %arg2[%get3A_4, %get3A_5, %get3A_6] : memref<2x2000x128xf32, #tpu.memory_space<vmem>>, vector<1x2000x1xf32>
    %get3A_8 = vector.shape_cast %get3A_7 : vector<1x2000x1xf32> to vector<2000xf32>
    %add3A = arith.addf %get3A_3, %get3A_8 : vector<2000xf32>
    %max3A = arith.constant 1.000000e+00 : f32
    %max3A_9 = vector.broadcast %max3A : f32 to vector<2000xf32>
    %max3A_10 = arith.maximumf %add3A, %max3A_9 : vector<2000xf32>
    %rsqrt3A = math.rsqrt %max3A_10 : vector<2000xf32>
    %broadcast_in_dim3A = vector.shape_cast %rsqrt3A : vector<2000xf32> to vector<2000x1xf32>
    %broadcast_in_dim3A_11 = arith.constant 1.000000e+00 : f32
    %broadcast_in_dim3A_12 = vector.broadcast %broadcast_in_dim3A_11 : f32 to vector<1x128xf32>
    %mul3A = vector.broadcast %broadcast_in_dim3A : vector<2000x1xf32> to vector<2000x128xf32>
    %mul3A_13 = vector.broadcast %broadcast_in_dim3A_12 : vector<1x128xf32> to vector<2000x128xf32>
    %mul3A_14 = arith.mulf %mul3A, %mul3A_13 : vector<2000x128xf32>
    %swap3A = arith.constant 0 : index
    %swap3A_15 = arith.constant 0 : index
    %swap3A_16 = vector.load %arg4[%swap3A, %swap3A_15] : memref<2000x128xf32, #tpu.memory_space<vmem>>, vector<2000x128xf32>
    tpu.vector_store %arg4[%swap3A, %swap3A_15], %mul3A_14 {strides = array<i32>} : memref<2000x128xf32, #tpu.memory_space<vmem>>, vector<2000x128xf32>,
    %get3A_17 = arith.constant 0 : index
    %get3A_18 = arith.constant 0 : index
    %get3A_19 = vector.load %arg1[%get3A_17, %get3A_18] : memref<2000x128xf32, #tpu.memory_space<vmem>>, vector<2000x128xf32>
    %mul3A_20 = arith.mulf %get3A_19, %mul3A_14 : vector<2000x128xf32>
    %swap3A_21 = arith.constant 0 : index
    %swap3A_22 = arith.constant 0 : index
    %swap3A_23 = vector.load %arg3[%swap3A_21, %swap3A_22] : memref<2000x128xf32, #tpu.memory_space<vmem>>, vector<2000x128xf32>
    tpu.vector_store %arg3[%swap3A_21, %swap3A_22], %mul3A_20 {strides = array<i32>} : memref<2000x128xf32, #tpu.memory_space<vmem>>, vector<2000x128xf32>,
    return
  }
  func.func @transform_0(%arg0: i32) -> (i32, i32) {
    %c0_i32 = arith.constant 0 : i32
    %c0_i32_0 = arith.constant 0 : i32
    return %arg0, %c0_i32 : i32, i32
  }
  func.func @transform_1(%arg0: i32) -> (i32, i32, i32) {
    %c0_i32 = arith.constant 0 : i32
    %c0_i32_0 = arith.constant 0 : i32
    %c0_i32_1 = arith.constant 0 : i32
    return %c0_i32, %arg0, %c0_i32_0 : i32, i32, i32
  }
  func.func @transform_2(%arg0: i32) -> (i32, i32) {
    %c0_i32 = arith.constant 0 : i32
    %c0_i32_0 = arith.constant 0 : i32
    return %arg0, %c0_i32 : i32, i32
  }
  func.func @transform_3(%arg0: i32) -> (i32, i32) {
    %c0_i32 = arith.constant 0 : i32
    %c0_i32_0 = arith.constant 0 : i32
    return %arg0, %c0_i32 : i32, i32
  }
}

module attributes {stable_mosaic.version = 14 : i64} {
  func.func @_tc2_kernel(%arg0: i32, %arg1: memref<2x2000x128xf32, #tpu.memory_space<vmem>>, %arg2: memref<2000x128xf32, #tpu.memory_space<vmem>>, %arg3: memref<128x48xf32, #tpu.memory_space<vmem>>, %arg4: memref<1x48xf32, #tpu.memory_space<vmem>>, %arg5: memref<2000x48xf32, #tpu.memory_space<vmem>>) attributes {dimension_semantics = [#tpu.dimension_semantics<arbitrary>], iteration_bounds = array<i64: 5>, scalar_prefetch = 0 : i64, scratch_operands = 0 : i64, tpu.core_type = #tpu.core_type<tc>, window_params = [{transform_indices = @transform_0, window_bounds = array<i64: 2, 2000, 128>}, {transform_indices = @transform_1, window_bounds = array<i64: 2000, 128>}, {pipeline_mode = #tpu.pipeline_mode<synchronous>, transform_indices = @transform_2, window_bounds = array<i64: 128, 48>}, {pipeline_mode = #tpu.pipeline_mode<synchronous>, transform_indices = @transform_3, window_bounds = array<i64: 1, 48>}, {transform_indices = @transform_4, window_bounds = array<i64: 2000, 48>}]} {
    %get3A = arith.constant 0 : index
    %get3A_0 = arith.constant 0 : index
    %get3A_1 = vector.load %arg2[%get3A, %get3A_0] : memref<2000x128xf32, #tpu.memory_space<vmem>>, vector<2000x128xf32>
    %get3A_2 = arith.constant 0 : index
    %get3A_3 = arith.constant 0 : index
    %get3A_4 = arith.constant 0 : index
    %get3A_5 = vector.load %arg1[%get3A_2, %get3A_3, %get3A_4] : memref<2x2000x128xf32, #tpu.memory_space<vmem>>, vector<1x2000x128xf32>
    %get3A_6 = vector.shape_cast %get3A_5 : vector<1x2000x128xf32> to vector<2000x128xf32>
    %get3A_7 = arith.constant 1 : index
    %get3A_8 = arith.constant 0 : index
    %get3A_9 = arith.constant 0 : index
    %get3A_10 = vector.load %arg1[%get3A_7, %get3A_8, %get3A_9] : memref<2x2000x128xf32, #tpu.memory_space<vmem>>, vector<1x2000x128xf32>
    %get3A_11 = vector.shape_cast %get3A_10 : vector<1x2000x128xf32> to vector<2000x128xf32>
    %add3A = arith.addf %get3A_6, %get3A_11 : vector<2000x128xf32>
    %mul3A = arith.mulf %add3A, %get3A_1 : vector<2000x128xf32>
    %max3A = arith.constant 0.000000e+00 : f32
    %max3A_12 = vector.broadcast %max3A : f32 to vector<2000x128xf32>
    %max3A_13 = arith.maximumf %mul3A, %max3A_12 : vector<2000x128xf32>
    %get3A_14 = arith.constant 0 : index
    %get3A_15 = arith.constant 0 : index
    %get3A_16 = vector.load %arg3[%get3A_14, %get3A_15] : memref<128x48xf32, #tpu.memory_space<vmem>>, vector<128x48xf32>
    %dot_general3A = arith.constant dense<0.000000e+00> : vector<2000x48xf32>
    %dot_general3A_17 = tpu.matmul %max3A_13, %get3A_16, %dot_general3A {dimension_numbers = #tpu.dot_dimension_numbers<[1], [0], [0], [1], [0, 0, 1, 1], [], []>, transpose_lhs_hint = false} : vector<2000x128xf32>, vector<128x48xf32>, vector<2000x48xf32> -> vector<2000x48xf32>
    %get3A_18 = arith.constant 0 : index
    %get3A_19 = arith.constant 0 : index
    %get3A_20 = vector.load %arg4[%get3A_18, %get3A_19] : memref<1x48xf32, #tpu.memory_space<vmem>>, vector<1x48xf32>
    %add3A_21 = vector.broadcast %get3A_20 : vector<1x48xf32> to vector<2000x48xf32>
    %add3A_22 = arith.addf %dot_general3A_17, %add3A_21 : vector<2000x48xf32>
    %slice3A = vector.extract_strided_slice %get3A_1 {offsets = [0, 0], sizes = [2000, 48], strides = [1, 1]} : vector<2000x128xf32> to vector<2000x48xf32>
    %mul3A_23 = arith.mulf %add3A_22, %slice3A : vector<2000x48xf32>
    %swap3A = arith.constant 0 : index
    %swap3A_24 = arith.constant 0 : index
    %swap3A_25 = vector.load %arg5[%swap3A, %swap3A_24] : memref<2000x48xf32, #tpu.memory_space<vmem>>, vector<2000x48xf32>
    tpu.vector_store %arg5[%swap3A, %swap3A_24], %mul3A_23 {strides = array<i32>} : memref<2000x48xf32, #tpu.memory_space<vmem>>, vector<2000x48xf32>,
    return
  }
  func.func @transform_0(%arg0: i32) -> (i32, i32, i32) {
    %c0_i32 = arith.constant 0 : i32
    %c0_i32_0 = arith.constant 0 : i32
    %c0_i32_1 = arith.constant 0 : i32
    return %c0_i32, %arg0, %c0_i32_0 : i32, i32, i32
  }
  func.func @transform_1(%arg0: i32) -> (i32, i32) {
    %c0_i32 = arith.constant 0 : i32
    %c0_i32_0 = arith.constant 0 : i32
    return %arg0, %c0_i32 : i32, i32
  }
  func.func @transform_2(%arg0: i32) -> (i32, i32) {
    %c0_i32 = arith.constant 0 : i32
    %c0_i32_0 = arith.constant 0 : i32
    %c0_i32_1 = arith.constant 0 : i32
    return %c0_i32, %c0_i32_0 : i32, i32
  }
  func.func @transform_3(%arg0: i32) -> (i32, i32) {
    %c0_i32 = arith.constant 0 : i32
    %c0_i32_0 = arith.constant 0 : i32
    %c0_i32_1 = arith.constant 0 : i32
    return %c0_i32, %c0_i32_0 : i32, i32
  }
  func.func @transform_4(%arg0: i32) -> (i32, i32) {
    %c0_i32 = arith.constant 0 : i32
    %c0_i32_0 = arith.constant 0 : i32
    return %arg0, %c0_i32 : i32, i32
  }
}

module attributes {stable_mosaic.version = 14 : i64} {
  func.func @_tc3_kernel(%arg0: i32, %arg1: memref<2x2000x128xf32, #tpu.memory_space<vmem>>, %arg2: memref<2000x128xf32, #tpu.memory_space<vmem>>, %arg3: memref<2000x40xf32, #tpu.memory_space<vmem>>) attributes {dimension_semantics = [#tpu.dimension_semantics<arbitrary>], iteration_bounds = array<i64: 5>, scalar_prefetch = 0 : i64, scratch_operands = 0 : i64, tpu.core_type = #tpu.core_type<tc>, window_params = [{transform_indices = @transform_0, window_bounds = array<i64: 2, 2000, 128>}, {transform_indices = @transform_1, window_bounds = array<i64: 2000, 128>}, {transform_indices = @transform_2, window_bounds = array<i64: 2000, 40>}]} {
    %get3A = arith.constant 0 : index
    %get3A_0 = arith.constant 0 : index
    %get3A_1 = arith.constant 0 : index
    %get3A_2 = vector.load %arg1[%get3A, %get3A_0, %get3A_1] : memref<2x2000x128xf32, #tpu.memory_space<vmem>>, vector<1x2000x40xf32>
    %get3A_3 = vector.shape_cast %get3A_2 : vector<1x2000x40xf32> to vector<2000x40xf32>
    %get3A_4 = arith.constant 1 : index
    %get3A_5 = arith.constant 0 : index
    %get3A_6 = arith.constant 0 : index
    %get3A_7 = vector.load %arg1[%get3A_4, %get3A_5, %get3A_6] : memref<2x2000x128xf32, #tpu.memory_space<vmem>>, vector<1x2000x40xf32>
    %get3A_8 = vector.shape_cast %get3A_7 : vector<1x2000x40xf32> to vector<2000x40xf32>
    %add3A = arith.addf %get3A_3, %get3A_8 : vector<2000x40xf32>
    %get3A_9 = arith.constant 0 : index
    %get3A_10 = arith.constant 0 : index
    %get3A_11 = vector.load %arg2[%get3A_9, %get3A_10] : memref<2000x128xf32, #tpu.memory_space<vmem>>, vector<2000x40xf32>
    %mul3A = arith.mulf %add3A, %get3A_11 : vector<2000x40xf32>
    %reduce_max3A = arith.constant dense<0xFF800000> : vector<2000xf32>
    %reduce_max3A_12 = vector.multi_reduction <maximumf>, %mul3A, %reduce_max3A [1] : vector<2000x40xf32> to vector<2000xf32>
    %broadcast_in_dim3A = vector.shape_cast %reduce_max3A_12 : vector<2000xf32> to vector<2000x1xf32>
    %sub3A = vector.broadcast %broadcast_in_dim3A : vector<2000x1xf32> to vector<2000x40xf32>
    %sub3A_13 = arith.subf %mul3A, %sub3A : vector<2000x40xf32>
    %exp3A = math.exp %sub3A_13 : vector<2000x40xf32>
    %reduce_sum3A = arith.constant dense<0.000000e+00> : vector<2000xf32>
    %reduce_sum3A_14 = vector.multi_reduction <add>, %exp3A, %reduce_sum3A [1] : vector<2000x40xf32> to vector<2000xf32>
    %broadcast_in_dim3A_15 = vector.shape_cast %reduce_sum3A_14 : vector<2000xf32> to vector<2000x1xf32>
    %log3A = math.log %broadcast_in_dim3A_15 : vector<2000x1xf32>
    %sub3A_16 = vector.broadcast %broadcast_in_dim3A : vector<2000x1xf32> to vector<2000x40xf32>
    %sub3A_17 = arith.subf %mul3A, %sub3A_16 : vector<2000x40xf32>
    %sub3A_18 = vector.broadcast %log3A : vector<2000x1xf32> to vector<2000x40xf32>
    %sub3A_19 = arith.subf %sub3A_17, %sub3A_18 : vector<2000x40xf32>
    %swap3A = arith.constant 0 : index
    %swap3A_20 = arith.constant 0 : index
    %swap3A_21 = vector.load %arg3[%swap3A, %swap3A_20] : memref<2000x40xf32, #tpu.memory_space<vmem>>, vector<2000x40xf32>
    tpu.vector_store %arg3[%swap3A, %swap3A_20], %sub3A_19 {strides = array<i32>} : memref<2000x40xf32, #tpu.memory_space<vmem>>, vector<2000x40xf32>,
    return
  }
  func.func @transform_0(%arg0: i32) -> (i32, i32, i32) {
    %c0_i32 = arith.constant 0 : i32
    %c0_i32_0 = arith.constant 0 : i32
    %c0_i32_1 = arith.constant 0 : i32
    return %c0_i32, %arg0, %c0_i32_0 : i32, i32, i32
  }
  func.func @transform_1(%arg0: i32) -> (i32, i32) {
    %c0_i32 = arith.constant 0 : i32
    %c0_i32_0 = arith.constant 0 : i32
    return %arg0, %c0_i32 : i32, i32
  }
  func.func @transform_2(%arg0: i32) -> (i32, i32) {
    %c0_i32 = arith.constant 0 : i32
    %c0_i32_0 = arith.constant 0 : i32
    return %arg0, %c0_i32 : i32, i32
  }
}

</mosaic_0001>

<sc_bundles>
// kernel: kernel.12.cloned.1.call-start
scs
__scs_entry_jumppad:
0x0: {  	(pc) =	sbr.rel $0x88, $3  }
0x1: {  	(tag) =	ssettag $0x0;
	lr =	simm.s32 $0x1  }
0x2: {  	[smem:$0x3F9B] =	sst lr;
	_ =	strace $0xD0000000  }
0x3: {  	_ = 	snop  }
0x4: {  	_ = 	snop  }
0x5: {  	_ = 	snop  }
0x6: {  	_ = 	snop  }
0x7: {  	_ = 	snop  }
__scs_overlays_trampoline_lowered:
0x8: {  	[smem:$0x3FAA] =	sst s0  }
0x9: {  	[smem:$0x3FAB] =	sst s1  }
0xa: {  	[smem:$0x3FAC] =	sst s2  }
0xb: {  	[smem:$0x3FAD] =	sst s3  }
0xc: {  	[smem:$0x3FAE] =	sst s4  }
0xd: {  	[smem:$0x3FAF] =	sst s5  }
0xe: {  	[smem:$0x3FB0] =	sst s6  }
0xf: {  	[smem:$0x3FB1] =	sst s7  }
0x10: {  	[smem:$0x3FB2] =	sst s8  }
0x11: {  	[smem:$0x3FB3] =	sst s9;
	s0 =	simm.s32 @!p0 $0x0  }
0x12: {  	s1 =	sld [smem:$0x3F99];
	s0 =	simm.s32 @p0 $0x1  }
0x13: {  	[smem:$0x3FB4] =	sst s0;
	s0 =	simm.s32 @!p1 $0x0  }
0x14: {  	s2 =	sld [smem:$0x3F98];
	s0 =	simm.s32 @p1 $0x1  }
0x15: {  	[smem:$0x3FB5] =	sst s0;
	s0 =	simm.s32 @!p2 $0x0  }
0x16: {  	s3 =	sld [smem:$0x3FDB];
	s0 =	simm.s32 @p2 $0x1  }
0x17: {  	s4 =	simm.s32 $0x1BF5;
	[smem:$0x3FB7] =	sst s0  }
0x18: {  	s0 =	sld [smem:$0x3F9A];
	_ =	swait.ge [sflag:s4], $0x0  }
0x19: {  	s7 =	sld [smem:$0x3F9B]  }
0x1a: {  	s8 =	sadd.s32 $0xFFFFE003, lr  }
0x1b: {  	s9 =	sadd.s32 $0xFFFFFEF7, lr;
	s5 =	simm.s32 $0xFFFFFFFF;
	p2 =	slt.u32 s8, $0xFFFFF086  }
0x1c: {  	p1 =	slt.u32 s9, $0xF7A;
	s5 =	simm.s32 @!p2 $0x0  }
0x1d: {  	s5 =	simm.s32 @p1 $0x1;
	p0 =	seq.s32 s7, s2  }
0x1e: {  	s7 =	smul.u32 @!p0 $0xF7A, s2;
	p2 =	seq.s32 @!p0 s5, $0x0  }
0x1f: {  	s9 =	smul.u32 $0xF7A, s1;
	s8 =	simm.s32 @!p0 $0x1BF5;
	p2 =	por !p2, p0  }
0x20: {  	[sflag:s8] =	ssyncset.s32 @!p0 $0xFFFFF086;
	s6 =	sadd.s32 @!p0 s3, s7;
	s7 =	simm.s32 @!p0 $0x108  }
0x21: {  	s3 =	sadd.s32 s3, s9;
	s6 =	sadd.s32 @!p0 $0x88, s6;
	s7 =	simm.s32 @p2 $0x1082  }
0x22: {  	[simem:s7], [sflag:s8] =	dma.local @!p0 [hbm:s6], $0xF7A  }
0x23: {  	s9 =	sor.u32 $0xD0000000, s2;
	s6 =	simm.s32 $0x108;
	_ =	swait.ge @!p0 [sflag:s8], $0x0  }
0x24: {  	s3 =	sadd.s32 $0x88, s3;
	s6 =	simm.s32 @!p1 $0x1082;
	[sflag:s4] =	ssyncset.s32 $0xFFFFF086  }
0x25: {  	[simem:s6], [sflag:s4] =	dma.local [hbm:s3], $0xF7A  }
0x26: {  	[smem:$0x3F9B] =	sst s1;
	(tag) =	ssettag s2;
	_ =	strace s9  }
0x27: {  	s1 =	sld [smem:$0x3FAB]  }
0x28: {  	s2 =	sld [smem:$0x3FAC]  }
0x29: {  	s4 =	sld [smem:$0x3FAE]  }
0x2a: {  	p0 =	seq.s32 s5, $0x0;
	s5 =	sld [smem:$0x3FAF]  }
0x2b: {  	s6 =	sld [smem:$0x3FB0]  }
0x2c: {  	s7 =	sld [smem:$0x3FB1]  }
0x2d: {  	s3 =	simm.s32 $0x108;
	s8 =	sld [smem:$0x3FB2]  }
0x2e: {  	s3 =	simm.s32 @!p0 $0x1082;
	s9 =	sld [smem:$0x3FB3]  }
0x2f: {  	lr =	sadd.s32 s0, s3;
	s0 =	sld [smem:$0x3FAA]  }
0x30: {  	s3 =	sld [smem:$0x3FAD]  }
0x31: {  	[smem:$0x3FB6] =	sst s10  }
0x32: {  	s10 =	sld [smem:$0x3FB4];
	_ =	sdelay $0x3  }
0x33: {  	p0 =	seq.s32 s10, $0x1;
	s10 =	sld [smem:$0x3FB6];
	_ =	sdelay $0x3  }
0x34: {  	[smem:$0x3FB6] =	sst s10  }
0x35: {  	s10 =	sld [smem:$0x3FB5];
	_ =	sdelay $0x3  }
0x36: {  	p1 =	seq.s32 s10, $0x1;
	s10 =	sld [smem:$0x3FB6];
	_ =	sdelay $0x3  }
0x37: {  	[smem:$0x3FB6] =	sst s10  }
0x38: {  	s10 =	sld [smem:$0x3FB7]  }
0x39: {  	_ = 	snop;
	(pc) =	sbr.ind lr, $3  }
0x3a: {  	_ = 	snop  }
0x3b: {  	_ = 	snop  }
0x3c: {  	p2 =	seq.s32 s10, $0x1;
	s10 =	sld [smem:$0x3FB6]  }
0x3d: {  	_ =	shalt  }
0x3e: {  	_ =	shalt  }
0x3f: {  	_ =	shalt  }
0x40: {  	_ =	shalt  }
0x41: {  	_ =	shalt  }
0x42: {  	_ =	shalt  }
0x43: {  	_ =	shalt  }
0x44: {  	_ =	shalt  }
0x45: {  	_ =	shalt  }
0x46: {  	_ =	shalt  }
0x47: {  	_ =	shalt  }
0x48: {  	_ =	shalt  }
0x49: {  	_ =	shalt  }
0x4a: {  	_ =	shalt  }
0x4b: {  	_ =	shalt  }
0x4c: {  	_ =	shalt  }
0x4d: {  	_ =	shalt  }
0x4e: {  	_ =	shalt  }
0x4f: {  	_ =	shalt  }
0x50: {  	_ =	shalt  }
0x51: {  	_ =	shalt  }
0x52: {  	_ =	shalt  }
0x53: {  	_ =	shalt  }
0x54: {  	_ =	shalt  }
0x55: {  	_ =	shalt  }
0x56: {  	_ =	shalt  }
0x57: {  	_ =	shalt  }
0x58: {  	_ =	shalt  }
0x59: {  	_ =	shalt  }
0x5a: {  	_ =	shalt  }
0x5b: {  	_ =	shalt  }
0x5c: {  	_ =	shalt  }
0x5d: {  	_ =	shalt  }
0x5e: {  	_ =	shalt  }
0x5f: {  	_ =	shalt  }
0x60: {  	_ =	shalt  }
0x61: {  	_ =	shalt  }
0x62: {  	_ =	shalt  }
0x63: {  	_ =	shalt  }
0x64: {  	_ =	shalt  }
0x65: {  	_ =	shalt  }
0x66: {  	_ =	shalt  }
0x67: {  	_ =	shalt  }
0x68: {  	_ =	shalt  }
0x69: {  	_ =	shalt  }
0x6a: {  	_ =	shalt  }
0x6b: {  	_ =	shalt  }
0x6c: {  	_ =	shalt  }
0x6d: {  	_ =	shalt  }
0x6e: {  	_ =	shalt  }
0x6f: {  	_ =	shalt  }
0x70: {  	_ =	shalt  }
0x71: {  	_ =	shalt  }
0x72: {  	_ =	shalt  }
0x73: {  	_ =	shalt  }
0x74: {  	_ =	shalt  }
0x75: {  	_ =	shalt  }
0x76: {  	_ =	shalt  }
0x77: {  	_ =	shalt  }
0x78: {  	_ =	shalt  }
0x79: {  	_ =	shalt  }
0x7a: {  	_ =	shalt  }
0x7b: {  	_ =	shalt  }
0x7c: {  	_ =	shalt  }
0x7d: {  	_ =	shalt  }
0x7e: {  	_ =	shalt  }
0x7f: {  	_ =	shalt  }
0x80: {  	_ =	shalt  }
0x81: {  	_ =	shalt  }
0x82: {  	_ =	shalt  }
0x83: {  	_ =	shalt  }
0x84: {  	_ =	shalt  }
0x85: {  	_ =	shalt  }
0x86: {  	_ =	shalt  }
0x87: {  	_ =	shalt  }
.Lfunc_end0:
.L_simem_size_0:
called_computation.1_lowered:
.L_overlay_start_0:
0x88: {  	s2 =	sld [smem:$0x3FD9]  }
0x89: {  	s3 =	sld [smem:$0x3FFE];
	_ =	sdelay $0x1  }
0x8a: {  	s1 =	srdreg.scid  }
0x8b: {  	s0 =	sand.u32 $0x1, s1  }
0x8c: {  	s17 =	sshll.u32 s0, $0xA;
	s2 =	sadd.s32 s3, s2  }
0x8d: {  	s2 =	sadd.s32 s2, s17  }
0x8e: {  	[smem:$0x3FC2] =	sst s2  }
0x8f: {  	_ = 	snop  }
0x90: {  	s2 =	sld [smem:$0x3FD0];
	(tm) =	ssettm $0x1  }
0x91: {  	s18 =	sld [smem:$0x3FFB];
	_ =	sdelay $0x3  }
0x92: {  	_ =	strace s18  }
0x93: {  	s3 =	sld [smem:$0x3FFC];
	_ =	sdelay $0x3  }
0x94: {  	_ =	strace s3  }
0x95: {  	s3 =	sld [smem:$0x3FFD];
	_ =	sdelay $0x3  }
0x96: {  	_ =	strace s3  }
0x97: {  	_ =	strace $0x8FFFFFFF  }
0x98: {  	s19 =	sld [smem:$0x3FDB];
	_ =	sdelay $0x1  }
0x99: {  	s4 =	simm.s32 $_scs_section_size  }
0x9a: {  	s5 =	simm.s32 $_size__tile_overlayer_lowered;
	s6 =	simm.s32 $_tile_overlayer_lowered  }
0x9b: {  	s22 =	simm.s32 $0x1BFF;
	s21 =	sshll.u32 s6, $0x1;
	s3 =	sadd.s32 s4, s19  }
0x9c: {  	s7 =	simm.s32 $0x0;
	s20 =	sshll.u32 s5, $0x1;
	s5 =	sadd.s32 s21, s3  }
0x9d: {  	[timem:s7], [sflag:s22] =	dma.local [hbm:s5], s20  }
0x9e: {  	_ =	swait.ge [sflag:s22], s20  }
0x9f: {  	s4 =	ssub.s32 $0x0, s20;
	[sflag:s22] =	ssyncset.done $0x0  }
0xa0: {  	[sflag:s22] =	ssyncadd.s32 s4;
	_ =	sdelay $0x1  }
0xa1: {  	s23 =	simm.s32 $0x1B8B  }
0xa2: {  	_ =	swait.ge [sflag:s23], $0x1  }
0xa3: {  	[sflag:s23] =	ssyncset.done $0x0  }
0xa4: {  	s25 =	simm.s32 $0x1B8E;
	s24 =	sld [smem:$0x3FFE];
	[sflag:s23] =	ssyncadd.s32 $0xFFFFFFFF  }
0xa5: {  	s26 =	simm.s32 $execute0_lowered;
	[smem:$0x3FD2] =	sst s25  }
0xa6: {  	s5 =	sshll.u32 s26, $0x1;
	_ =	strace $0x80000049;
	[dreg:$0x1] =	wrdreg $0xFFFFFFFF  }
0xa7: {  	s28 =	simm.s32 $_size_execute0_lowered;
	s3 =	sadd.s32 s3, s5;
	[dreg:$0x0] =	wrdreg $0x0  }
0xa8: {  	s5 =	sshll.u32 s28, $0x1;
	[dreg:$0x2] =	wrdreg s3  }
0xa9: {  	[dreg:$0x3] =	wrdreg s5  }
0xaa: {  	[dreg:$0x4] =	wrdreg $0xC0  }
0xab: {  	_ =	task [dreg:s7], $0x5FFFF  }
0xac: {  	[dreg:$0x1] =	wrdreg $0xFFFFFFFF  }
0xad: {  	[dreg:$0x0] =	wrdreg $0x60  }
0xae: {  	[dreg:$0x2] =	wrdreg s24  }
0xaf: {  	[dreg:$0x3] =	wrdreg s2  }
0xb0: {  	[dreg:$0x4] =	wrdreg $0xA8000  }
0xb1: {  	[dreg:$0x5] =	wrdreg $0x9  }
0xb2: {  	_ =	task.clear_ibuf [dreg:s7], $0x6FFFF;
	_ =	strace $0x90000049  }
0xb3: {  	s29 =	simm.s32 $0x9;
	_ =	strace $0x8000004B  }
0xb4: {  	_ =	swait.ge [sflag:s29], $0x1  }
0xb5: {  	[sflag:s29] =	ssyncadd.s32 $0xFFFFFFFF  }
0xb6: {  	_ =	strace $0x9000004B  }
0xb7: {  	_ =	sfence  }
0xb8: {  	s30 =	sld [smem:$0x0];
	_ =	sdelay $0x2  }
0xb9: {  	s31 =	sshll.u32 s1, $0xD;
	s1 =	sshrl.u32 s1, $0x2  }
0xba: {  	s3 =	sand.u32 $0x4000, s31;
	s1 =	sadd.s32 s1, s30  }
0xbb: {  	s0 =	sor.u32 s3, s0;
	s1 =	sshll.u32 s1, $0x11  }
0xbc: {  	s0 =	sor.u32 s1, s0  }
0xbd: {  	s0 =	sadd.s32 $0x8F2B, s0  }
0xbe: {  	[sflag:s0] =	ssyncadd.remote.s32 $0x1  }
0xbf: {  	_ =	sfence.sel $0xFFFF  }
0xc0: {  	[dreg:$0x0] =	wrdreg $0xFFFFFFFF;
	(pc) =	sbr.abs _section_cstart, $3  }
0xc1: {  	[dreg:$0x1] =	wrdreg $0xFFFFFFFF  }
0xc2: {  	_ =	task.clear_ibuf [dreg:s7], $0x2FFFF;
	_ =	strace $0x9FFFFFFF  }
0xc3: {  	(tm) =	ssettm $0x7FFFFFFF  }
tec
execute0_lowered:
.L_overlay_start_1:
0x0: {  	(tag) =	ssettag $0x1  }
0x1: {  	s6 =	rddreg [dreg:$0x0]  }
0x2: {  	s1 =	srdreg.scid;
	s2 =	rddreg [dreg:$0x1]  }
0x3: {  	s0 =	stileid.u32;
	s3 =	rddreg [dreg:$0x2];
	s4 =	simm.s32 $0x0  }
0x4: {  	s15 =	simm.s32 $0x80;
	s16 =	simm.s32 $0x2800;
	s17 =	simm.s32 $0x6800  }
0x5: {  	s18 =	simm.s32 $0x0;
	s7 =	sand.u32 $0x1, s1;
	s28 =	sshll.u32 s0, $0x1  }
0x6: {  	s9 =	smul.u32 $0x13900, s0;
	[smem:$0x7FF] =	sst s4;
	s5 =	sadd.s32 $0x16400, s6  }
0x7: {  	s31 =	sshll.u32 s0, $0x6;
	s1 =	sor.u32 s7, s28;
	s10 =	smul.u32 $0x139000, s7  }
0x8: {  	s7 =	ssub.s32 $0x2, s7;
	s8 =	smul.u32 $0x2800, s1;
	s1 =	rddreg [dreg:$0x3]  }
0x9: {  	_ =	strace $0x8000004A;
	s30 =	sshrl.u32 s7, $0x1;
	s10 =	sadd.s32 s9, s10  }
0xa: {  	s14 =	sadd.s32 s9, s3;
	s8 =	sshrl.u32 s8, $0x3;
	s29 =	sshrl.u32 s10, $0x3  }
0xb: {  	s13 =	ssub.s32 s7, s30;
	s11 =	sadd.s32 s8, s6;
	s12 =	sadd.s32 s29, s6  }
0xc: {  	s6 =	sor.u32 $0x1C03, s31;
	s7 =	sadd.s32 $0x2400, s11;
	s8 =	sadd.s32 $0xC400, s11  }
0xd: {  	s9 =	sadd.s32 $0x2680, s11;
	s10 =	sadd.s32 $0xC680, s11;
	s11 =	sadd.s32 $0x3D600, s12  }
0xe: {  	s12 =	smax.u32 s13, $0x1;
	s13 =	sshrl.u32 s14, $0x3;
	s14 =	simm.s32 $0x3  }
.LBB2_1:
0xf: {  	[spmem:s13], [sflag:s6] =	dma.local [hbm:s2], $0x2720  }
0x10: {  	_ =	swait.ge [sflag:s14], $0x2720  }
0x11: {  	[sflag:s14] =	ssyncset.done $0x0  }
0x12: {  	[sflag:s14] =	ssyncadd.s32 $0xFFFFD8E0  }
0x13: {  	[tilespmem:s4], [sflag:$0x3] =	stream.linear.gather [hbm4b:s7+s4], $0x1400, $0x38;
	[tilespmem:$0x1E100] =	vst v63  }
0x14: {  	_ =	swait.ge [sflag:s14], $0x1400  }
0x15: {  	[sflag:s14] =	ssyncset.done $0x0  }
0x16: {  	s25 =	simm.s32 $0x1400;
	[sflag:s14] =	ssyncadd.s32 $0xFFFFEC00  }
0x17: {  	[tilespmem:s25], [sflag:$0x3] =	stream.linear.gather [hbm4b:s8+s4], $0x1400, $0x38;
	[tilespmem:$0x1E100] =	vst v63  }
0x18: {  	_ =	swait.ge [sflag:s14], $0x1400  }
0x19: {  	[sflag:s14] =	ssyncset.done $0x0  }
0x1a: {  	s19 =	sand.u32 $0x1, s4;
	[sflag:s14] =	ssyncadd.s32 $0xFFFFEC00  }
0x1b: {  	p0 =	seq.s32 s19, $0x1;
	[bflag:$0x0] =	sbarrier.arrive $0xFFFF  }
0x1c: {  	[tilespmem:s16], [sflag:$0x1] =	stream.indirect.gather [hbm4b:s5+s15], $0x80, s4, s15, $0xb8;
	[tilespmem:$0x1E100] =	vst v63  }
0x1d: {  	s20 =	simm.s32 @p0 $0x2;
	p0 =	por p0, p0  }
0x1e: {  	[tilespmem:s17], [sflag:$0x2] =	stream.indirect.gather [hbm4b:s5+s15], $0x80, s15, s15, $0xb8;
	[tilespmem:$0x1E100] =	vst v63  }
0x1f: {  	s22 =	simm.s32 $0x100;
	s23 =	simm.s32 $0x2;
	_ =	swait.ge @p0 [sflag:s20], $0x4000  }
0x20: {  	s19 =	simm.s32 $0x1;
	s21 =	simm.s32 @p0 $0x3;
	[sflag:s20] =	ssyncset.done @p0 $0x0  }
0x21: {  	s24 =	simm.s32 @p0 $0x6800;
	[sflag:s20] =	ssyncadd.s32 @p0 $0xFFFFC000;
	s20 =	simm.s32 @p0 $0x80  }
0x22: {  	[spmem:s3] =	stream.indirect.scatter.add.f32 @p0 [tilespmem:s24], [sflag:$0x3], $0x80, s25, s20, $0xb8;
	[tilespmem:$0x1E100] =	vst v63  }
0x23: {  	s31 =	sand.u32 $0x1, s19;
	p1 =	por @p0 $0x0, $0x0;
	_ =	swait.ge @p0 [sflag:s21], $0x4000  }
0x24: {  	s26 =	simm.s32 @!p0 $0x1;
	p1 =	por p1, !p0;
	[sflag:s21] =	ssyncset.done @p0 $0x0  }
0x25: {  	s24 =	simm.s32 @!p1 $0x6800;
	[sflag:s21] =	ssyncadd.s32 @p0 $0xFFFFC000;
	s21 =	simm.s32 @!p1 $0x80  }
0x26: {  	[tilespmem:s24], [sflag:$0x2] =	stream.indirect.gather @!p1 [hbm4b:s5+s21], $0x80, s22, s21, $0xb8;
	[tilespmem:$0x1E100] =	vst v63  }
0x27: {  	s28 =	simm.s32 @!p0 $0x2800;
	p3 =	seq.s32 s31, $0x1;
	_ =	swait.ge @!p0 [sflag:s26], $0x4000  }
0x28: {  	s20 =	simm.s32 $0x1480;
	s24 =	simm.s32 @!p0 $0x3;
	[sflag:s26] =	ssyncset.done @!p0 $0x0  }
0x29: {  	p1 =	por @!p0 $0x0, $0x0;
	[sflag:s26] =	ssyncadd.s32 @!p0 $0xFFFFC000;
	s26 =	simm.s32 @!p0 $0x80  }
0x2a: {  	[spmem:s3] =	stream.indirect.scatter.add.f32 @!p0 [tilespmem:s28], [sflag:$0x3], $0x80, s25, s26, $0xb8;
	[tilespmem:$0x1E100] =	vst v63  }
0x2b: {  	s21 =	simm.s32 $0x180;
	p2 =	por p1, p0;
	_ =	swait.ge @!p0 [sflag:s24], $0x4000  }
0x2c: {  	s25 =	simm.s32 @!p2 $0x2800;
	s26 =	simm.s32 @!p2 $0x80;
	[sflag:s24] =	ssyncset.done @!p0 $0x0  }
.LBB2_2:
0x2d: {  	s28 =	simm.s32 @p3 $0x2  }
0x2e: {  	[sflag:s24] =	ssyncadd.s32 @!p0 $0xFFFFC000;
	s29 =	smov.u32 s19;
	s19 =	smov.u32 s23  }
0x2f: {  	s23 =	sadd.s32 $0x1, s23;
	s30 =	smov.u32 s20;
	p0 =	por p3, p3  }
0x30: {  	[tilespmem:s25], [sflag:$0x1] =	stream.indirect.gather @!p2 [hbm4b:s5+s26], $0x80, s22, s26, $0xb8;
	[tilespmem:$0x1E100] =	vst v63  }
0x31: {  	p1 =	sne.s32 s23, $0x28;
	s22 =	smov.u32 s21;
	_ =	swait.ge @p0 [sflag:s28], $0x4000  }
0x32: {  	s20 =	sadd.s32 $0x80, s20;
	s24 =	simm.s32 @p0 $0x3;
	[sflag:s28] =	ssyncset.done @p0 $0x0  }
0x33: {  	s25 =	simm.s32 @p0 $0x80;
	s26 =	simm.s32 @p0 $0x6800;
	[sflag:s28] =	ssyncadd.s32 @p0 $0xFFFFC000  }
0x34: {  	[spmem:s3] =	stream.indirect.scatter.add.f32 @p0 [tilespmem:s26], [sflag:$0x3], $0x80, s30, s25, $0xb8;
	[tilespmem:$0x1E100] =	vst v63  }
0x35: {  	p2 =	sgt.u32 @p0 s29, $0x25;
	s21 =	sadd.s32 $0x80, s21;
	_ =	swait.ge @p0 [sflag:s24], $0x4000  }
0x36: {  	p2 =	por p2, !p0;
	s25 =	simm.s32 @!p0 $0x1;
	[sflag:s24] =	ssyncset.done @p0 $0x0  }
0x37: {  	s26 =	simm.s32 @!p2 $0x6800;
	[sflag:s24] =	ssyncadd.s32 @p0 $0xFFFFC000;
	s24 =	simm.s32 @!p2 $0x80  }
0x38: {  	[tilespmem:s26], [sflag:$0x2] =	stream.indirect.gather @!p2 [hbm4b:s5+s24], $0x80, s22, s24, $0xb8;
	[tilespmem:$0x1E100] =	vst v63  }
0x39: {  	s26 =	simm.s32 @!p0 $0x2800;
	s24 =	simm.s32 @!p0 $0x3;
	_ =	swait.ge @!p0 [sflag:s25], $0x4000  }
.Ltmp0:
0x3a: {  	p2 =	sgt.u32 @!p0 s29, $0x25;
	[sflag:s25] =	ssyncset.done @!p0 $0x0;
	(pc) =	sbr.rel @p1 .LBB2_2-.Ltmp0, $4  }
0x3b: {  	p2 =	por p2, p0;
	[sflag:s25] =	ssyncadd.s32 @!p0 $0xFFFFC000;
	s25 =	simm.s32 @!p0 $0x80  }
0x3c: {  	[spmem:s3] =	stream.indirect.scatter.add.f32 @!p0 [tilespmem:s26], [sflag:$0x3], $0x80, s30, s25, $0xb8;
	[tilespmem:$0x1E100] =	vst v63  }
0x3d: {  	s26 =	sand.u32 $0x1, s19;
	s25 =	simm.s32 @!p2 $0x2800;
	_ =	swait.ge @!p0 [sflag:s24], $0x4000  }
0x3e: {  	p3 =	seq.s32 s26, $0x1;
	s26 =	simm.s32 @!p2 $0x80;
	[sflag:s24] =	ssyncset.done @!p0 $0x0  }
0x3f: {  	s23 =	simm.s32 @p3 $0x2;
	[sflag:s24] =	ssyncadd.s32 @!p0 $0xFFFFC000;
	p0 =	por p3, p3  }
0x40: {  	[tilespmem:s25], [sflag:$0x1] =	stream.indirect.gather @!p2 [hbm4b:s5+s26], $0x80, s22, s26, $0xb8;
	[tilespmem:$0x1E100] =	vst v63  }
0x41: {  	_ =	swait.ge @p0 [sflag:s23], $0x4000  }
0x42: {  	s22 =	simm.s32 @p0 $0x3;
	[sflag:s23] =	ssyncset.done @p0 $0x0  }
0x43: {  	s24 =	simm.s32 @p0 $0x6800;
	[sflag:s23] =	ssyncadd.s32 @p0 $0xFFFFC000;
	s23 =	simm.s32 @p0 $0x80  }
0x44: {  	[spmem:s3] =	stream.indirect.scatter.add.f32 @p0 [tilespmem:s24], [sflag:$0x3], $0x80, s20, s23, $0xb8;
	[tilespmem:$0x1E100] =	vst v63  }
0x45: {  	p1 =	sgt.u32 @p0 s19, $0x25;
	_ =	swait.ge @p0 [sflag:s22], $0x4000  }
0x46: {  	p1 =	por p1, !p0;
	s23 =	simm.s32 @!p0 $0x1;
	[sflag:s22] =	ssyncset.done @p0 $0x0  }
0x47: {  	s24 =	simm.s32 @!p1 $0x6800;
	[sflag:s22] =	ssyncadd.s32 @p0 $0xFFFFC000;
	s22 =	simm.s32 @!p1 $0x80  }
0x48: {  	[tilespmem:s24], [sflag:$0x2] =	stream.indirect.gather @!p1 [hbm4b:s5+s22], $0x80, s21, s22, $0xb8;
	[tilespmem:$0x1E100] =	vst v63  }
0x49: {  	_ =	swait.ge @!p0 [sflag:s23], $0x4000  }
0x4a: {  	s22 =	simm.s32 @!p0 $0x2800;
	[sflag:s23] =	ssyncset.done @!p0 $0x0  }
0x4b: {  	s24 =	simm.s32 @!p0 $0x3;
	[sflag:s23] =	ssyncadd.s32 @!p0 $0xFFFFC000;
	s23 =	simm.s32 @!p0 $0x80  }
0x4c: {  	[spmem:s3] =	stream.indirect.scatter.add.f32 @!p0 [tilespmem:s22], [sflag:$0x3], $0x80, s20, s23, $0xb8;
	[tilespmem:$0x1E100] =	vst v63  }
0x4d: {  	p1 =	sgt.u32 @!p0 s19, $0x25;
	_ =	swait.ge @!p0 [sflag:s24], $0x4000  }
0x4e: {  	p1 =	por p1, p0;
	[sflag:s24] =	ssyncset.done @!p0 $0x0  }
0x4f: {  	s19 =	simm.s32 @!p1 $0x2800;
	s20 =	simm.s32 @!p1 $0x80;
	[sflag:s24] =	ssyncadd.s32 @!p0 $0xFFFFC000  }
0x50: {  	[tilespmem:s19], [sflag:$0x1] =	stream.indirect.gather @!p1 [hbm4b:s5+s20], $0x80, s21, s20, $0xb8;
	[tilespmem:$0x1E100] =	vst v63  }
0x51: {  	s30 =	simm.s32 $0x0  }
0x52: {  	[tilespmem:s30], [sflag:$0x3] =	stream.linear.gather [hbm4b:s9+s30], $0x1400, $0x38;
	[tilespmem:$0x1E100] =	vst v63  }
0x53: {  	_ =	swait.ge [sflag:s14], $0x1400  }
0x54: {  	[sflag:s14] =	ssyncset.done $0x0  }
0x55: {  	s25 =	simm.s32 $0x1400;
	[sflag:s14] =	ssyncadd.s32 $0xFFFFEC00  }
0x56: {  	[tilespmem:s25], [sflag:$0x3] =	stream.linear.gather [hbm4b:s10+s30], $0x1400, $0x38;
	[tilespmem:$0x1E100] =	vst v63  }
0x57: {  	_ =	swait.ge [sflag:s14], $0x1400  }
0x58: {  	s19 =	sand.u32 $0x1, s30;
	[sflag:s14] =	ssyncset.done $0x0  }
0x59: {  	p0 =	seq.s32 s19, $0x1;
	[sflag:s14] =	ssyncadd.s32 $0xFFFFEC00  }
0x5a: {  	[tilespmem:s16], [sflag:$0x1] =	stream.indirect.gather [hbm4b:s5+s15], $0x80, s30, s15, $0xb8;
	[tilespmem:$0x1E100] =	vst v63  }
0x5b: {  	s20 =	simm.s32 @p0 $0x2;
	p0 =	por p0, p0  }
0x5c: {  	[tilespmem:s17], [sflag:$0x2] =	stream.indirect.gather [hbm4b:s5+s15], $0x80, s15, s15, $0xb8;
	[tilespmem:$0x1E100] =	vst v63  }
0x5d: {  	s22 =	simm.s32 $0x100;
	s23 =	simm.s32 $0x2;
	_ =	swait.ge @p0 [sflag:s20], $0x4000  }
0x5e: {  	s19 =	simm.s32 $0x1;
	s21 =	simm.s32 @p0 $0x3;
	[sflag:s20] =	ssyncset.done @p0 $0x0  }
0x5f: {  	s24 =	simm.s32 @p0 $0x6800;
	[sflag:s20] =	ssyncadd.s32 @p0 $0xFFFFC000;
	s20 =	simm.s32 @p0 $0x80  }
0x60: {  	[spmem:s3] =	stream.indirect.scatter.add.f32 @p0 [tilespmem:s24], [sflag:$0x3], $0x80, s25, s20, $0xb8;
	[tilespmem:$0x1E100] =	vst v63  }
0x61: {  	s31 =	sand.u32 $0x1, s19;
	p1 =	por @p0 $0x0, $0x0;
	_ =	swait.ge @p0 [sflag:s21], $0x4000  }
0x62: {  	s26 =	simm.s32 @!p0 $0x1;
	p1 =	por p1, !p0;
	[sflag:s21] =	ssyncset.done @p0 $0x0  }
0x63: {  	s24 =	simm.s32 @!p1 $0x6800;
	[sflag:s21] =	ssyncadd.s32 @p0 $0xFFFFC000;
	s21 =	simm.s32 @!p1 $0x80  }
0x64: {  	[tilespmem:s24], [sflag:$0x2] =	stream.indirect.gather @!p1 [hbm4b:s5+s21], $0x80, s22, s21, $0xb8;
	[tilespmem:$0x1E100] =	vst v63  }
0x65: {  	s28 =	simm.s32 @!p0 $0x2800;
	p3 =	seq.s32 s31, $0x1;
	_ =	swait.ge @!p0 [sflag:s26], $0x4000  }
0x66: {  	s20 =	simm.s32 $0x1480;
	s24 =	simm.s32 @!p0 $0x3;
	[sflag:s26] =	ssyncset.done @!p0 $0x0  }
0x67: {  	p1 =	por @!p0 $0x0, $0x0;
	[sflag:s26] =	ssyncadd.s32 @!p0 $0xFFFFC000;
	s26 =	simm.s32 @!p0 $0x80  }
0x68: {  	[spmem:s3] =	stream.indirect.scatter.add.f32 @!p0 [tilespmem:s28], [sflag:$0x3], $0x80, s25, s26, $0xb8;
	[tilespmem:$0x1E100] =	vst v63  }
0x69: {  	s21 =	simm.s32 $0x180;
	p2 =	por p1, p0;
	_ =	swait.ge @!p0 [sflag:s24], $0x4000  }
0x6a: {  	s25 =	simm.s32 @!p2 $0x2800;
	s26 =	simm.s32 @!p2 $0x80;
	[sflag:s24] =	ssyncset.done @!p0 $0x0  }
.LBB2_4:
0x6b: {  	s28 =	simm.s32 @p3 $0x2  }
0x6c: {  	[sflag:s24] =	ssyncadd.s32 @!p0 $0xFFFFC000;
	s29 =	smov.u32 s19;
	s19 =	smov.u32 s23  }
0x6d: {  	s23 =	sadd.s32 $0x1, s23;
	s30 =	smov.u32 s20;
	p0 =	por p3, p3  }
0x6e: {  	[tilespmem:s25], [sflag:$0x1] =	stream.indirect.gather @!p2 [hbm4b:s5+s26], $0x80, s22, s26, $0xb8;
	[tilespmem:$0x1E100] =	vst v63  }
0x6f: {  	p1 =	sne.s32 s23, $0x28;
	s22 =	smov.u32 s21;
	_ =	swait.ge @p0 [sflag:s28], $0x4000  }
0x70: {  	s20 =	sadd.s32 $0x80, s20;
	s24 =	simm.s32 @p0 $0x3;
	[sflag:s28] =	ssyncset.done @p0 $0x0  }
0x71: {  	s25 =	simm.s32 @p0 $0x80;
	s26 =	simm.s32 @p0 $0x6800;
	[sflag:s28] =	ssyncadd.s32 @p0 $0xFFFFC000  }
0x72: {  	[spmem:s3] =	stream.indirect.scatter.add.f32 @p0 [tilespmem:s26], [sflag:$0x3], $0x80, s30, s25, $0xb8;
	[tilespmem:$0x1E100] =	vst v63  }
0x73: {  	p2 =	sgt.u32 @p0 s29, $0x25;
	s21 =	sadd.s32 $0x80, s21;
	_ =	swait.ge @p0 [sflag:s24], $0x4000  }
0x74: {  	p2 =	por p2, !p0;
	s25 =	simm.s32 @!p0 $0x1;
	[sflag:s24] =	ssyncset.done @p0 $0x0  }
0x75: {  	s26 =	simm.s32 @!p2 $0x6800;
	[sflag:s24] =	ssyncadd.s32 @p0 $0xFFFFC000;
	s24 =	simm.s32 @!p2 $0x80  }
0x76: {  	[tilespmem:s26], [sflag:$0x2] =	stream.indirect.gather @!p2 [hbm4b:s5+s24], $0x80, s22, s24, $0xb8;
	[tilespmem:$0x1E100] =	vst v63  }
0x77: {  	s26 =	simm.s32 @!p0 $0x2800;
	s24 =	simm.s32 @!p0 $0x3;
	_ =	swait.ge @!p0 [sflag:s25], $0x4000  }
.Ltmp1:
0x78: {  	p2 =	sgt.u32 @!p0 s29, $0x25;
	[sflag:s25] =	ssyncset.done @!p0 $0x0;
	(pc) =	sbr.rel @p1 .LBB2_4-.Ltmp1, $4  }
0x79: {  	p2 =	por p2, p0;
	[sflag:s25] =	ssyncadd.s32 @!p0 $0xFFFFC000;
	s25 =	simm.s32 @!p0 $0x80  }
0x7a: {  	[spmem:s3] =	stream.indirect.scatter.add.f32 @!p0 [tilespmem:s26], [sflag:$0x3], $0x80, s30, s25, $0xb8;
	[tilespmem:$0x1E100] =	vst v63  }
0x7b: {  	s26 =	sand.u32 $0x1, s19;
	s25 =	simm.s32 @!p2 $0x2800;
	_ =	swait.ge @!p0 [sflag:s24], $0x4000  }
0x7c: {  	p3 =	seq.s32 s26, $0x1;
	s26 =	simm.s32 @!p2 $0x80;
	[sflag:s24] =	ssyncset.done @!p0 $0x0  }
0x7d: {  	s23 =	simm.s32 @p3 $0x2;
	[sflag:s24] =	ssyncadd.s32 @!p0 $0xFFFFC000;
	p0 =	por p3, p3  }
0x7e: {  	[tilespmem:s25], [sflag:$0x1] =	stream.indirect.gather @!p2 [hbm4b:s5+s26], $0x80, s22, s26, $0xb8;
	[tilespmem:$0x1E100] =	vst v63  }
0x7f: {  	_ =	swait.ge @p0 [sflag:s23], $0x4000  }
0x80: {  	s22 =	simm.s32 @p0 $0x3;
	[sflag:s23] =	ssyncset.done @p0 $0x0  }
0x81: {  	s24 =	simm.s32 @p0 $0x6800;
	[sflag:s23] =	ssyncadd.s32 @p0 $0xFFFFC000;
	s23 =	simm.s32 @p0 $0x80  }
0x82: {  	[spmem:s3] =	stream.indirect.scatter.add.f32 @p0 [tilespmem:s24], [sflag:$0x3], $0x80, s20, s23, $0xb8;
	[tilespmem:$0x1E100] =	vst v63  }
0x83: {  	p1 =	sgt.u32 @p0 s19, $0x25;
	_ =	swait.ge @p0 [sflag:s22], $0x4000  }
0x84: {  	p1 =	por p1, !p0;
	s23 =	simm.s32 @!p0 $0x1;
	[sflag:s22] =	ssyncset.done @p0 $0x0  }
0x85: {  	s24 =	simm.s32 @!p1 $0x6800;
	[sflag:s22] =	ssyncadd.s32 @p0 $0xFFFFC000;
	s22 =	simm.s32 @!p1 $0x80  }
0x86: {  	[tilespmem:s24], [sflag:$0x2] =	stream.indirect.gather @!p1 [hbm4b:s5+s22], $0x80, s21, s22, $0xb8;
	[tilespmem:$0x1E100] =	vst v63  }
0x87: {  	_ =	swait.ge @!p0 [sflag:s23], $0x4000  }
0x88: {  	s22 =	simm.s32 @!p0 $0x2800;
	s24 =	simm.s32 @!p0 $0x3;
	[sflag:s23] =	ssyncset.done @!p0 $0x0  }
0x89: {  	p1 =	sgt.u32 @!p0 s19, $0x25;
	[sflag:s23] =	ssyncadd.s32 @!p0 $0xFFFFC000;
	s23 =	simm.s32 @!p0 $0x80  }
0x8a: {  	[spmem:s3] =	stream.indirect.scatter.add.f32 @!p0 [tilespmem:s22], [sflag:$0x3], $0x80, s20, s23, $0xb8;
	[tilespmem:$0x1E100] =	vst v63  }
0x8b: {  	p1 =	por p1, p0;
	_ =	swait.ge @!p0 [sflag:s24], $0x4000  }
0x8c: {  	s18 =	sadd.s32 $0x1, s18;
	s19 =	simm.s32 @!p1 $0x2800;
	[sflag:s24] =	ssyncset.done @!p0 $0x0  }
0x8d: {  	s20 =	simm.s32 @!p1 $0x80;
	[sflag:s24] =	ssyncadd.s32 @!p0 $0xFFFFC000;
	p0 =	sne.s32 s18, s12  }
0x8e: {  	[tilespmem:s19], [sflag:$0x1] =	stream.indirect.gather @!p1 [hbm4b:s5+s20], $0x80, s21, s20, $0xb8;
	[tilespmem:$0x1E100] =	vst v63  }
.Ltmp2:
0x8f: {  	[bflag:$0x0] =	sbarrier.arrive $0xFFFF;
	(pc) =	sbr.rel @p0 .LBB2_1-.Ltmp2, $4  }
0x90: {  	[hbm:s11], [sflag:s6] =	dma.local [spmem:s13], $0x2720  }
0x91: {  	_ =	swait.ge [sflag:s14], $0x2720  }
0x92: {  	[sflag:s14] =	ssyncset.done $0x0  }
0x93: {  	[sflag:s14] =	ssyncadd.s32 $0xFFFFD8E0  }
0x94: {  	_ =	sfence.sel $0x180000  }
0x95: {  	[bflag:$0x0] =	sbarrier.arrive $0xFFFF  }
0x96: {  	p0 =	sne.s32 s0, $0x0;
	_ =	strace $0x9000004A  }
0x97: {  	s0 =	sadd.s32 @!p0 $0x100000, s1;
	[bflag:$0x2] =	sbarrier.arrive $0xFFFF  }
0x98: {  	[sflag:s0] =	ssyncadd.tile.s32 @!p0 $0x1;
	_ =	shalt  }
.Lfunc_end2:
_tile_overlayer_lowered:
.L_overlay_start_2:
0x99: {  	(tag) =	ssettag $0x2  }
0x9a: {  	s0 =	rddreg [dreg:$0x0];
	s2 =	stileid.u32  }
0x9b: {  	s1 =	rddreg [dreg:$0x1];
	p0 =	sne.s32 s2, $0x0  }
0x9c: {  	s3 =	rddreg [dreg:$0x2];
	[bflag:$0x3] =	sbarrier.arrive $0xFFFF;
	s2 =	simm.s32 @!p0 $0x1C03  }
0x9d: {  	[timem:s3], [sflag:s2] =	dma.local @!p0 [hbm:s0], s1  }
0x9e: {  	s0 =	simm.s32 @!p0 $0x3  }
0x9f: {  	_ =	swait.ge @!p0 [sflag:s0], s1  }
0xa0: {  	s1 =	ssub.s32 @!p0 $0x0, s1;
	[sflag:s0] =	ssyncset.done @!p0 $0x0  }
0xa1: {  	[sflag:s0] =	ssyncadd.s32 @!p0 s1  }
0xa2: {  	[bflag:$0x3] =	sbarrier.arrive $0xFFFF  }
0xa3: {  	_ =	shalt  }

// kernel: kernel.15.cloned.1.call-start
scs
__scs_entry_jumppad:
0x0: {  	(pc) =	sbr.rel $0x88, $3  }
0x1: {  	(tag) =	ssettag $0x0;
	lr =	simm.s32 $0x1  }
0x2: {  	[smem:$0x3F9B] =	sst lr;
	_ =	strace $0xD0000000  }
0x3: {  	_ = 	snop  }
0x4: {  	_ = 	snop  }
0x5: {  	_ = 	snop  }
0x6: {  	_ = 	snop  }
0x7: {  	_ = 	snop  }
__scs_overlays_trampoline_lowered:
0x8: {  	[smem:$0x3FAA] =	sst s0  }
0x9: {  	[smem:$0x3FAB] =	sst s1  }
0xa: {  	[smem:$0x3FAC] =	sst s2  }
0xb: {  	[smem:$0x3FAD] =	sst s3  }
0xc: {  	[smem:$0x3FAE] =	sst s4  }
0xd: {  	[smem:$0x3FAF] =	sst s5  }
0xe: {  	[smem:$0x3FB0] =	sst s6  }
0xf: {  	[smem:$0x3FB1] =	sst s7  }
0x10: {  	[smem:$0x3FB2] =	sst s8  }
0x11: {  	[smem:$0x3FB3] =	sst s9;
	s0 =	simm.s32 @!p0 $0x0  }
0x12: {  	s1 =	sld [smem:$0x3F99];
	s0 =	simm.s32 @p0 $0x1  }
0x13: {  	[smem:$0x3FB4] =	sst s0;
	s0 =	simm.s32 @!p1 $0x0  }
0x14: {  	s2 =	sld [smem:$0x3F98];
	s0 =	simm.s32 @p1 $0x1  }
0x15: {  	[smem:$0x3FB5] =	sst s0;
	s0 =	simm.s32 @!p2 $0x0  }
0x16: {  	s3 =	sld [smem:$0x3FDB];
	s0 =	simm.s32 @p2 $0x1  }
0x17: {  	s4 =	simm.s32 $0x1BF5;
	[smem:$0x3FB7] =	sst s0  }
0x18: {  	s0 =	sld [smem:$0x3F9A];
	_ =	swait.ge [sflag:s4], $0x0  }
0x19: {  	s7 =	sld [smem:$0x3F9B]  }
0x1a: {  	s8 =	sadd.s32 $0xFFFFE003, lr  }
0x1b: {  	s9 =	sadd.s32 $0xFFFFFEF7, lr;
	s5 =	simm.s32 $0xFFFFFFFF;
	p2 =	slt.u32 s8, $0xFFFFF086  }
0x1c: {  	p1 =	slt.u32 s9, $0xF7A;
	s5 =	simm.s32 @!p2 $0x0  }
0x1d: {  	s5 =	simm.s32 @p1 $0x1;
	p0 =	seq.s32 s7, s2  }
0x1e: {  	s7 =	smul.u32 @!p0 $0xF7A, s2;
	p2 =	seq.s32 @!p0 s5, $0x0  }
0x1f: {  	s9 =	smul.u32 $0xF7A, s1;
	s8 =	simm.s32 @!p0 $0x1BF5;
	p2 =	por !p2, p0  }
0x20: {  	[sflag:s8] =	ssyncset.s32 @!p0 $0xFFFFF086;
	s6 =	sadd.s32 @!p0 s3, s7;
	s7 =	simm.s32 @!p0 $0x108  }
0x21: {  	s3 =	sadd.s32 s3, s9;
	s6 =	sadd.s32 @!p0 $0x88, s6;
	s7 =	simm.s32 @p2 $0x1082  }
0x22: {  	[simem:s7], [sflag:s8] =	dma.local @!p0 [hbm:s6], $0xF7A  }
0x23: {  	s9 =	sor.u32 $0xD0000000, s2;
	s6 =	simm.s32 $0x108;
	_ =	swait.ge @!p0 [sflag:s8], $0x0  }
0x24: {  	s3 =	sadd.s32 $0x88, s3;
	s6 =	simm.s32 @!p1 $0x1082;
	[sflag:s4] =	ssyncset.s32 $0xFFFFF086  }
0x25: {  	[simem:s6], [sflag:s4] =	dma.local [hbm:s3], $0xF7A  }
0x26: {  	[smem:$0x3F9B] =	sst s1;
	(tag) =	ssettag s2;
	_ =	strace s9  }
0x27: {  	s1 =	sld [smem:$0x3FAB]  }
0x28: {  	s2 =	sld [smem:$0x3FAC]  }
0x29: {  	s4 =	sld [smem:$0x3FAE]  }
0x2a: {  	p0 =	seq.s32 s5, $0x0;
	s5 =	sld [smem:$0x3FAF]  }
0x2b: {  	s6 =	sld [smem:$0x3FB0]  }
0x2c: {  	s7 =	sld [smem:$0x3FB1]  }
0x2d: {  	s3 =	simm.s32 $0x108;
	s8 =	sld [smem:$0x3FB2]  }
0x2e: {  	s3 =	simm.s32 @!p0 $0x1082;
	s9 =	sld [smem:$0x3FB3]  }
0x2f: {  	lr =	sadd.s32 s0, s3;
	s0 =	sld [smem:$0x3FAA]  }
0x30: {  	s3 =	sld [smem:$0x3FAD]  }
0x31: {  	[smem:$0x3FB6] =	sst s10  }
0x32: {  	s10 =	sld [smem:$0x3FB4];
	_ =	sdelay $0x3  }
0x33: {  	p0 =	seq.s32 s10, $0x1;
	s10 =	sld [smem:$0x3FB6];
	_ =	sdelay $0x3  }
0x34: {  	[smem:$0x3FB6] =	sst s10  }
0x35: {  	s10 =	sld [smem:$0x3FB5];
	_ =	sdelay $0x3  }
0x36: {  	p1 =	seq.s32 s10, $0x1;
	s10 =	sld [smem:$0x3FB6];
	_ =	sdelay $0x3  }
0x37: {  	[smem:$0x3FB6] =	sst s10  }
0x38: {  	s10 =	sld [smem:$0x3FB7]  }
0x39: {  	_ = 	snop;
	(pc) =	sbr.ind lr, $3  }
0x3a: {  	_ = 	snop  }
0x3b: {  	_ = 	snop  }
0x3c: {  	p2 =	seq.s32 s10, $0x1;
	s10 =	sld [smem:$0x3FB6]  }
0x3d: {  	_ =	shalt  }
0x3e: {  	_ =	shalt  }
0x3f: {  	_ =	shalt  }
0x40: {  	_ =	shalt  }
0x41: {  	_ =	shalt  }
0x42: {  	_ =	shalt  }
0x43: {  	_ =	shalt  }
0x44: {  	_ =	shalt  }
0x45: {  	_ =	shalt  }
0x46: {  	_ =	shalt  }
0x47: {  	_ =	shalt  }
0x48: {  	_ =	shalt  }
0x49: {  	_ =	shalt  }
0x4a: {  	_ =	shalt  }
0x4b: {  	_ =	shalt  }
0x4c: {  	_ =	shalt  }
0x4d: {  	_ =	shalt  }
0x4e: {  	_ =	shalt  }
0x4f: {  	_ =	shalt  }
0x50: {  	_ =	shalt  }
0x51: {  	_ =	shalt  }
0x52: {  	_ =	shalt  }
0x53: {  	_ =	shalt  }
0x54: {  	_ =	shalt  }
0x55: {  	_ =	shalt  }
0x56: {  	_ =	shalt  }
0x57: {  	_ =	shalt  }
0x58: {  	_ =	shalt  }
0x59: {  	_ =	shalt  }
0x5a: {  	_ =	shalt  }
0x5b: {  	_ =	shalt  }
0x5c: {  	_ =	shalt  }
0x5d: {  	_ =	shalt  }
0x5e: {  	_ =	shalt  }
0x5f: {  	_ =	shalt  }
0x60: {  	_ =	shalt  }
0x61: {  	_ =	shalt  }
0x62: {  	_ =	shalt  }
0x63: {  	_ =	shalt  }
0x64: {  	_ =	shalt  }
0x65: {  	_ =	shalt  }
0x66: {  	_ =	shalt  }
0x67: {  	_ =	shalt  }
0x68: {  	_ =	shalt  }
0x69: {  	_ =	shalt  }
0x6a: {  	_ =	shalt  }
0x6b: {  	_ =	shalt  }
0x6c: {  	_ =	shalt  }
0x6d: {  	_ =	shalt  }
0x6e: {  	_ =	shalt  }
0x6f: {  	_ =	shalt  }
0x70: {  	_ =	shalt  }
0x71: {  	_ =	shalt  }
0x72: {  	_ =	shalt  }
0x73: {  	_ =	shalt  }
0x74: {  	_ =	shalt  }
0x75: {  	_ =	shalt  }
0x76: {  	_ =	shalt  }
0x77: {  	_ =	shalt  }
0x78: {  	_ =	shalt  }
0x79: {  	_ =	shalt  }
0x7a: {  	_ =	shalt  }
0x7b: {  	_ =	shalt  }
0x7c: {  	_ =	shalt  }
0x7d: {  	_ =	shalt  }
0x7e: {  	_ =	shalt  }
0x7f: {  	_ =	shalt  }
0x80: {  	_ =	shalt  }
0x81: {  	_ =	shalt  }
0x82: {  	_ =	shalt  }
0x83: {  	_ =	shalt  }
0x84: {  	_ =	shalt  }
0x85: {  	_ =	shalt  }
0x86: {  	_ =	shalt  }
0x87: {  	_ =	shalt  }
.Lfunc_end0:
.L_simem_size_0:
called_computation.2_lowered:
.L_overlay_start_0:
0x88: {  	s2 =	sld [smem:$0x3FD9]  }
0x89: {  	s3 =	sld [smem:$0x3FFE];
	_ =	sdelay $0x1  }
0x8a: {  	s1 =	srdreg.scid  }
0x8b: {  	s0 =	sand.u32 $0x1, s1  }
0x8c: {  	s17 =	sshll.u32 s0, $0xA;
	s2 =	sadd.s32 s3, s2  }
0x8d: {  	s2 =	sadd.s32 s2, s17  }
0x8e: {  	[smem:$0x3FC2] =	sst s2  }
0x8f: {  	_ = 	snop  }
0x90: {  	s2 =	sld [smem:$0x3FD0];
	(tm) =	ssettm $0x1  }
0x91: {  	s18 =	sld [smem:$0x3FFB];
	_ =	sdelay $0x3  }
0x92: {  	_ =	strace s18  }
0x93: {  	s3 =	sld [smem:$0x3FFC];
	_ =	sdelay $0x3  }
0x94: {  	_ =	strace s3  }
0x95: {  	s3 =	sld [smem:$0x3FFD];
	_ =	sdelay $0x3  }
0x96: {  	_ =	strace s3  }
0x97: {  	_ =	strace $0x8FFFFFFF  }
0x98: {  	s19 =	sld [smem:$0x3FDB];
	_ =	sdelay $0x1  }
0x99: {  	s4 =	simm.s32 $_scs_section_size  }
0x9a: {  	s5 =	simm.s32 $_size__tile_overlayer_lowered;
	s6 =	simm.s32 $_tile_overlayer_lowered  }
0x9b: {  	s22 =	simm.s32 $0x1BFF;
	s21 =	sshll.u32 s6, $0x1;
	s3 =	sadd.s32 s4, s19  }
0x9c: {  	s7 =	simm.s32 $0x0;
	s20 =	sshll.u32 s5, $0x1;
	s5 =	sadd.s32 s21, s3  }
0x9d: {  	[timem:s7], [sflag:s22] =	dma.local [hbm:s5], s20  }
0x9e: {  	_ =	swait.ge [sflag:s22], s20  }
0x9f: {  	s4 =	ssub.s32 $0x0, s20;
	[sflag:s22] =	ssyncset.done $0x0  }
0xa0: {  	[sflag:s22] =	ssyncadd.s32 s4;
	_ =	sdelay $0x1  }
0xa1: {  	s23 =	simm.s32 $0x1B8B  }
0xa2: {  	_ =	swait.ge [sflag:s23], $0x1  }
0xa3: {  	[sflag:s23] =	ssyncset.done $0x0  }
0xa4: {  	s25 =	simm.s32 $0x1B8E;
	s24 =	sld [smem:$0x3FFE];
	[sflag:s23] =	ssyncadd.s32 $0xFFFFFFFF  }
0xa5: {  	s26 =	simm.s32 $execute0_lowered;
	[smem:$0x3FD2] =	sst s25  }
0xa6: {  	s5 =	sshll.u32 s26, $0x1;
	_ =	strace $0x8000004C;
	[dreg:$0x1] =	wrdreg $0xFFFFFFFF  }
0xa7: {  	s28 =	simm.s32 $_size_execute0_lowered;
	s3 =	sadd.s32 s3, s5;
	[dreg:$0x0] =	wrdreg $0x0  }
0xa8: {  	s5 =	sshll.u32 s28, $0x1;
	[dreg:$0x2] =	wrdreg s3  }
0xa9: {  	[dreg:$0x3] =	wrdreg s5  }
0xaa: {  	[dreg:$0x4] =	wrdreg $0xC0  }
0xab: {  	_ =	task [dreg:s7], $0x5FFFF  }
0xac: {  	[dreg:$0x1] =	wrdreg $0xFFFFFFFF  }
0xad: {  	[dreg:$0x0] =	wrdreg $0x60  }
0xae: {  	[dreg:$0x2] =	wrdreg s24  }
0xaf: {  	[dreg:$0x3] =	wrdreg s2  }
0xb0: {  	[dreg:$0x4] =	wrdreg $0xB0000  }
0xb1: {  	[dreg:$0x5] =	wrdreg $0x9  }
0xb2: {  	_ =	task.clear_ibuf [dreg:s7], $0x6FFFF;
	_ =	strace $0x9000004C  }
0xb3: {  	s29 =	simm.s32 $0x9;
	_ =	strace $0x8000004E  }
0xb4: {  	_ =	swait.ge [sflag:s29], $0x1  }
0xb5: {  	[sflag:s29] =	ssyncadd.s32 $0xFFFFFFFF  }
0xb6: {  	_ =	strace $0x9000004E  }
0xb7: {  	_ =	sfence  }
0xb8: {  	s30 =	sld [smem:$0x0];
	_ =	sdelay $0x2  }
0xb9: {  	s31 =	sshll.u32 s1, $0xD;
	s1 =	sshrl.u32 s1, $0x2  }
0xba: {  	s3 =	sand.u32 $0x4000, s31;
	s1 =	sadd.s32 s1, s30  }
0xbb: {  	s0 =	sor.u32 s3, s0;
	s1 =	sshll.u32 s1, $0x11  }
0xbc: {  	s0 =	sor.u32 s1, s0  }
0xbd: {  	s0 =	sadd.s32 $0x8F2B, s0  }
0xbe: {  	[sflag:s0] =	ssyncadd.remote.s32 $0x1  }
0xbf: {  	_ =	sfence.sel $0xFFFF  }
0xc0: {  	[dreg:$0x0] =	wrdreg $0xFFFFFFFF;
	(pc) =	sbr.abs _section_cstart, $3  }
0xc1: {  	[dreg:$0x1] =	wrdreg $0xFFFFFFFF  }
0xc2: {  	_ =	task.clear_ibuf [dreg:s7], $0x2FFFF;
	_ =	strace $0x9FFFFFFF  }
0xc3: {  	(tm) =	ssettm $0x7FFFFFFF  }
tec
execute0_lowered:
.L_overlay_start_1:
0x0: {  	(tag) =	ssettag $0x1  }
0x1: {  	s6 =	rddreg [dreg:$0x0]  }
0x2: {  	s1 =	srdreg.scid;
	s2 =	rddreg [dreg:$0x1]  }
0x3: {  	s0 =	stileid.u32;
	s3 =	rddreg [dreg:$0x2];
	s4 =	simm.s32 $0x0  }
0x4: {  	s13 =	simm.s32 $0x80;
	s14 =	simm.s32 $0x5000;
	s15 =	simm.s32 $0x6800  }
0x5: {  	s16 =	simm.s32 $0x5;
	s17 =	simm.s32 $0x6;
	s18 =	simm.s32 $0x7  }
0x6: {  	s19 =	simm.s32 $0x8;
	s20 =	simm.s32 $0x1;
	s21 =	simm.s32 $0x10  }
0x7: {  	s22 =	simm.s32 $0x0;
	s7 =	sand.u32 $0x1, s1;
	s10 =	smul.u32 $0x13900, s0  }
0x8: {  	s26 =	sshll.u32 s0, $0x1;
	[smem:$0x7FF] =	sst s4;
	s28 =	smul.u32 $0x1D580, s0  }
0x9: {  	s5 =	sadd.s32 $0x16400, s6;
	s1 =	sor.u32 s7, s26;
	s9 =	smul.u32 $0x139000, s7  }
0xa: {  	s31 =	sshll.u32 s0, $0x6;
	s7 =	ssub.s32 $0x2, s7;
	s8 =	smul.u32 $0x2800, s1  }
0xb: {  	s1 =	rddreg [dreg:$0x3];
	_ =	strace $0x8000004D;
	s29 =	sshrl.u32 s7, $0x1  }
0xc: {  	s30 =	sshrl.u32 s28, $0x2;
	s9 =	sadd.s32 s10, s9;
	s11 =	ssub.s32 s7, s29  }
0xd: {  	s12 =	sadd.s32 s30, s3;
	s8 =	sshrl.u32 s8, $0x3;
	s9 =	sshrl.u32 s9, $0x3  }
0xe: {  	s10 =	smax.u32 s11, $0x1;
	s11 =	sshrl.u32 s12, $0x3;
	s12 =	simm.s32 $0x9  }
0xf: {  	s8 =	sadd.s32 s8, s6;
	s9 =	sadd.s32 s9, s6;
	s6 =	sor.u32 $0x1C09, s31  }
0x10: {  	s7 =	sadd.s32 $0x2400, s8;
	s8 =	sadd.s32 $0xC400, s8;
	s9 =	sadd.s32 $0x25000, s9  }
.LBB2_1:
0x11: {  	[spmem:s11], [sflag:s6] =	dma.local [hbm:s2], $0xEAC  }
0x12: {  	_ =	swait.ge [sflag:s12], $0xEAC  }
0x13: {  	[sflag:s12] =	ssyncset.done $0x0  }
0x14: {  	[sflag:s12] =	ssyncadd.s32 $0xFFFFF154  }
0x15: {  	[tilespmem:s4], [sflag:$0x9] =	stream.linear.gather [hbm4b:s7+s4], $0x2800, $0x38;
	[tilespmem:$0x12560] =	vst v63  }
0x16: {  	_ =	swait.ge [sflag:s12], $0x2800  }
0x17: {  	[sflag:s12] =	ssyncset.done $0x0  }
0x18: {  	s23 =	simm.s32 $0x2800;
	[sflag:s12] =	ssyncadd.s32 $0xFFFFD800  }
0x19: {  	[tilespmem:s23], [sflag:$0x9] =	stream.linear.gather [hbm4b:s8+s4], $0x2800, $0x38;
	[tilespmem:$0x12560] =	vst v63  }
0x1a: {  	_ =	swait.ge [sflag:s12], $0x2800  }
0x1b: {  	[sflag:s12] =	ssyncset.done $0x0  }
0x1c: {  	[sflag:s12] =	ssyncadd.s32 $0xFFFFD800  }
0x1d: {  	[bflag:$0x0] =	sbarrier.arrive $0xFFFF  }
0x1e: {  	[tilespmem:s14], [sflag:$0x1] =	stream.indirect.gather [hbm4b:s5+s13], $0x30, s4, s13, $0xb8;
	[tilespmem:$0x12560] =	vst v63  }
0x1f: {  	s24 =	simm.s32 $0x100;
	s25 =	simm.s32 $0x0  }
0x20: {  	[tilespmem:s15], [sflag:$0x2] =	stream.indirect.gather [hbm4b:s5+s13], $0x30, s13, s13, $0xb8;
	[tilespmem:$0x12560] =	vst v63  }
.LBB2_2:
0x21: {  	s26 =	sand.u32 $0x3, s25  }
0x22: {  	p0 =	sgt.s32 s26, $0x1  }
0x23: {  	p1 =	seq.s32 @p0 s26, $0x2  }
0x24: {  	p2 =	por !p1, !p0  }
0x25: {  	s28 =	simm.s32 @!p2 $0x3;
	p3 =	sgt.u32 @!p2 s25, $0x4D  }
0x26: {  	_ =	swait.ge @!p2 [sflag:s28], $0x1800;
	p4 =	por @p0 p3, !p1  }
0x27: {  	s29 =	simm.s32 @!p2 $0x8000;
	[sflag:s28] =	ssyncset.done @!p2 $0x0;
	p4 =	por p4, !p0  }
0x28: {  	[sflag:s28] =	ssyncadd.s32 @!p2 $0xFFFFE800;
	s28 =	simm.s32 @!p2 $0x80;
	p5 =	slt.u32 @!p4 s25, $0x2  }
0x29: {  	[spmem:s3] =	stream.indirect.scatter.add.f32 @!p2 [tilespmem:s29], [sflag:$0x7], $0x30, s23, s28, $0xb8;
	[tilespmem:$0x12560] =	vst v63  }
0x2a: {  	p2 =	por @!p2 p5, p3  }
0x2b: {  	p2 =	por @p0 p2, !p1  }
0x2c: {  	p2 =	por p2, !p0  }
0x2d: {  	s28 =	simm.s32 @!p2 $0x5  }
0x2e: {  	_ =	swait.ge @!p2 [sflag:s28], $0x1800  }
0x2f: {  	s29 =	simm.s32 @!p4 $0x5000;
	[sflag:s28] =	ssyncset.done @!p2 $0x0  }
0x30: {  	[sflag:s28] =	ssyncadd.s32 @!p2 $0xFFFFE800;
	s28 =	simm.s32 @!p4 $0x80;
	p2 =	por p1, !p0  }
0x31: {  	[tilespmem:s29], [sflag:$0x1] =	stream.indirect.gather @!p4 [hbm4b:s5+s28], $0x30, s24, s28, $0xb8;
	[tilespmem:$0x12560] =	vst v63  }
0x32: {  	s28 =	simm.s32 @!p2 $0x4;
	p3 =	sgt.u32 @!p2 s25, $0x4D  }
0x33: {  	_ =	swait.ge @!p2 [sflag:s28], $0x1800;
	p4 =	por @p0 p3, p1  }
0x34: {  	s29 =	simm.s32 @!p2 $0x9800;
	[sflag:s28] =	ssyncset.done @!p2 $0x0;
	p4 =	por p4, !p0  }
0x35: {  	[sflag:s28] =	ssyncadd.s32 @!p2 $0xFFFFE800;
	s28 =	simm.s32 @!p2 $0x80;
	p5 =	slt.u32 @!p4 s25, $0x2  }
0x36: {  	[spmem:s3] =	stream.indirect.scatter.add.f32 @!p2 [tilespmem:s29], [sflag:$0x8], $0x30, s23, s28, $0xb8;
	[tilespmem:$0x12560] =	vst v63  }
0x37: {  	p2 =	por @!p2 p5, p3  }
0x38: {  	p1 =	por @p0 p2, p1  }
0x39: {  	p1 =	por p1, !p0  }
0x3a: {  	s28 =	simm.s32 @!p1 $0x6  }
0x3b: {  	_ =	swait.ge @!p1 [sflag:s28], $0x1800  }
0x3c: {  	s29 =	simm.s32 @!p4 $0x6800;
	[sflag:s28] =	ssyncset.done @!p1 $0x0  }
0x3d: {  	[sflag:s28] =	ssyncadd.s32 @!p1 $0xFFFFE800;
	s28 =	simm.s32 @!p4 $0x80;
	p1 =	seq.s32 @!p0 s26, $0x0  }
0x3e: {  	[tilespmem:s29], [sflag:$0x2] =	stream.indirect.gather @!p4 [hbm4b:s5+s28], $0x30, s24, s28, $0xb8;
	[tilespmem:$0x12560] =	vst v63  }
0x3f: {  	p2 =	por !p1, p0  }
0x40: {  	s26 =	simm.s32 @!p2 $0x1;
	p3 =	sgt.u32 @!p2 s25, $0x4D  }
0x41: {  	_ =	swait.ge @!p2 [sflag:s26], $0x1800;
	p4 =	por @!p0 p3, !p1  }
0x42: {  	s28 =	simm.s32 @!p2 $0x5000;
	[sflag:s26] =	ssyncset.done @!p2 $0x0;
	p4 =	por p4, p0  }
0x43: {  	[sflag:s26] =	ssyncadd.s32 @!p2 $0xFFFFE800;
	s26 =	simm.s32 @!p2 $0x80;
	p5 =	slt.u32 @!p4 s25, $0x2  }
0x44: {  	[spmem:s3] =	stream.indirect.scatter.add.f32 @!p2 [tilespmem:s28], [sflag:$0x5], $0x30, s23, s26, $0xb8;
	[tilespmem:$0x12560] =	vst v63  }
0x45: {  	p2 =	por @!p2 p5, p3  }
0x46: {  	p2 =	por @!p0 p2, !p1  }
0x47: {  	p2 =	por p2, p0  }
0x48: {  	s26 =	simm.s32 @!p2 $0x7  }
0x49: {  	_ =	swait.ge @!p2 [sflag:s26], $0x1800  }
0x4a: {  	s28 =	simm.s32 @!p4 $0x8000;
	[sflag:s26] =	ssyncset.done @!p2 $0x0  }
0x4b: {  	[sflag:s26] =	ssyncadd.s32 @!p2 $0xFFFFE800;
	s26 =	simm.s32 @!p4 $0x80;
	p2 =	por p1, p0  }
0x4c: {  	[tilespmem:s28], [sflag:$0x3] =	stream.indirect.gather @!p4 [hbm4b:s5+s26], $0x30, s24, s26, $0xb8;
	[tilespmem:$0x12560] =	vst v63  }
0x4d: {  	s26 =	simm.s32 @!p2 $0x2;
	p3 =	sgt.u32 @!p2 s25, $0x4D  }
0x4e: {  	_ =	swait.ge @!p2 [sflag:s26], $0x1800;
	p4 =	por @!p0 p3, p1  }
0x4f: {  	s28 =	simm.s32 @!p2 $0x6800;
	[sflag:s26] =	ssyncset.done @!p2 $0x0;
	p4 =	por p4, p0  }
0x50: {  	[sflag:s26] =	ssyncadd.s32 @!p2 $0xFFFFE800;
	s26 =	simm.s32 @!p2 $0x80;
	p5 =	slt.u32 @!p4 s25, $0x2  }
0x51: {  	[spmem:s3] =	stream.indirect.scatter.add.f32 @!p2 [tilespmem:s28], [sflag:$0x6], $0x30, s23, s26, $0xb8;
	[tilespmem:$0x12560] =	vst v63  }
0x52: {  	p2 =	por @!p2 p5, p3  }
0x53: {  	p1 =	por @!p0 p2, p1  }
0x54: {  	p0 =	por p1, p0  }
0x55: {  	s26 =	simm.s32 @!p0 $0x8  }
0x56: {  	_ =	swait.ge @!p0 [sflag:s26], $0x1800  }
0x57: {  	s25 =	sadd.s32 $0x1, s25;
	[sflag:s26] =	ssyncset.done @!p0 $0x0  }
0x58: {  	[sflag:s26] =	ssyncadd.s32 @!p0 $0xFFFFE800;
	p0 =	sne.s32 s25, $0x50  }
.Ltmp0:
0x59: {  	_ = 	snop;
	(pc) =	sbr.rel @p0 .LBB2_2-.Ltmp0, $4  }
0x5a: {  	_ = 	snop  }
0x5b: {  	s28 =	simm.s32 @!p4 $0x9800;
	s26 =	simm.s32 @!p4 $0x80  }
0x5c: {  	[tilespmem:s28], [sflag:$0x4] =	stream.indirect.gather @!p4 [hbm4b:s5+s26], $0x30, s24, s26, $0xb8;
	[tilespmem:$0x12560] =	vst v63  }
0x5d: {  	s23 =	sadd.s32 $0x80, s23;
	s24 =	sadd.s32 $0x80, s24  }
0x5e: {  	_ =	swait.ge [sflag:s16], $0x1800  }
0x5f: {  	[sflag:s16] =	ssyncset.done $0x0  }
0x60: {  	[sflag:s16] =	ssyncadd.s32 $0xFFFFE800  }
0x61: {  	_ =	swait.ge [sflag:s17], $0x1800  }
0x62: {  	[sflag:s17] =	ssyncset.done $0x0  }
0x63: {  	[sflag:s17] =	ssyncadd.s32 $0xFFFFE800  }
0x64: {  	_ =	swait.ge [sflag:s18], $0x1800  }
0x65: {  	[sflag:s18] =	ssyncset.done $0x0  }
0x66: {  	[sflag:s18] =	ssyncadd.s32 $0xFFFFE800  }
0x67: {  	_ =	swait.ge [sflag:s19], $0x1800  }
0x68: {  	s22 =	sadd.s32 $0x1, s22;
	[sflag:s19] =	ssyncset.done $0x0  }
0x69: {  	p0 =	sne.s32 s22, s10;
	[sflag:s19] =	ssyncadd.s32 $0xFFFFE800  }
.Ltmp1:
0x6a: {  	[bflag:$0x0] =	sbarrier.arrive $0xFFFF;
	(pc) =	sbr.rel @p0 .LBB2_1-.Ltmp1, $4  }
0x6b: {  	[hbm:s9@s21], [sflag:s6] =	dma.strided [spmem:s11@s17], $0xEAC, s20, $0x6   }
0x6c: {  	_ =	swait.ge [sflag:s12], $0xEAC  }
0x6d: {  	[sflag:s12] =	ssyncset.done $0x0  }
0x6e: {  	[sflag:s12] =	ssyncadd.s32 $0xFFFFF154  }
0x6f: {  	_ =	sfence.sel $0x180000  }
0x70: {  	[bflag:$0x0] =	sbarrier.arrive $0xFFFF  }
0x71: {  	p0 =	sne.s32 s0, $0x0;
	_ =	strace $0x9000004D  }
0x72: {  	s0 =	sadd.s32 @!p0 $0x100000, s1;
	[bflag:$0x2] =	sbarrier.arrive $0xFFFF  }
0x73: {  	[sflag:s0] =	ssyncadd.tile.s32 @!p0 $0x1;
	_ =	shalt  }
.Lfunc_end2:
_tile_overlayer_lowered:
.L_overlay_start_2:
0x74: {  	(tag) =	ssettag $0x2  }
0x75: {  	s0 =	rddreg [dreg:$0x0];
	s2 =	stileid.u32  }
0x76: {  	s1 =	rddreg [dreg:$0x1];
	p0 =	sne.s32 s2, $0x0  }
0x77: {  	s3 =	rddreg [dreg:$0x2];
	[bflag:$0x3] =	sbarrier.arrive $0xFFFF;
	s2 =	simm.s32 @!p0 $0x1C09  }
0x78: {  	[timem:s3], [sflag:s2] =	dma.local @!p0 [hbm:s0], s1  }
0x79: {  	s0 =	simm.s32 @!p0 $0x9  }
0x7a: {  	_ =	swait.ge @!p0 [sflag:s0], s1  }
0x7b: {  	s1 =	ssub.s32 @!p0 $0x0, s1;
	[sflag:s0] =	ssyncset.done @!p0 $0x0  }
0x7c: {  	[sflag:s0] =	ssyncadd.s32 @!p0 s1  }
0x7d: {  	[bflag:$0x3] =	sbarrier.arrive $0xFFFF  }
0x7e: {  	_ =	shalt  }

// kernel: kernel.9.cloned.1.call-start
scs
__scs_entry_jumppad:
0x0: {  	(pc) =	sbr.rel $0x88, $3  }
0x1: {  	(tag) =	ssettag $0x0;
	lr =	simm.s32 $0x1  }
0x2: {  	[smem:$0x3F9B] =	sst lr;
	_ =	strace $0xD0000000  }
0x3: {  	_ = 	snop  }
0x4: {  	_ = 	snop  }
0x5: {  	_ = 	snop  }
0x6: {  	_ = 	snop  }
0x7: {  	_ = 	snop  }
__scs_overlays_trampoline_lowered:
0x8: {  	[smem:$0x3FAA] =	sst s0  }
0x9: {  	[smem:$0x3FAB] =	sst s1  }
0xa: {  	[smem:$0x3FAC] =	sst s2  }
0xb: {  	[smem:$0x3FAD] =	sst s3  }
0xc: {  	[smem:$0x3FAE] =	sst s4  }
0xd: {  	[smem:$0x3FAF] =	sst s5  }
0xe: {  	[smem:$0x3FB0] =	sst s6  }
0xf: {  	[smem:$0x3FB1] =	sst s7  }
0x10: {  	[smem:$0x3FB2] =	sst s8  }
0x11: {  	[smem:$0x3FB3] =	sst s9;
	s0 =	simm.s32 @!p0 $0x0  }
0x12: {  	s1 =	sld [smem:$0x3F99];
	s0 =	simm.s32 @p0 $0x1  }
0x13: {  	[smem:$0x3FB4] =	sst s0;
	s0 =	simm.s32 @!p1 $0x0  }
0x14: {  	s2 =	sld [smem:$0x3F98];
	s0 =	simm.s32 @p1 $0x1  }
0x15: {  	[smem:$0x3FB5] =	sst s0;
	s0 =	simm.s32 @!p2 $0x0  }
0x16: {  	s3 =	sld [smem:$0x3FDB];
	s0 =	simm.s32 @p2 $0x1  }
0x17: {  	s4 =	simm.s32 $0x1BF5;
	[smem:$0x3FB7] =	sst s0  }
0x18: {  	s0 =	sld [smem:$0x3F9A];
	_ =	swait.ge [sflag:s4], $0x0  }
0x19: {  	s7 =	sld [smem:$0x3F9B]  }
0x1a: {  	s8 =	sadd.s32 $0xFFFFE003, lr  }
0x1b: {  	s9 =	sadd.s32 $0xFFFFFEF7, lr;
	s5 =	simm.s32 $0xFFFFFFFF;
	p2 =	slt.u32 s8, $0xFFFFF086  }
0x1c: {  	p1 =	slt.u32 s9, $0xF7A;
	s5 =	simm.s32 @!p2 $0x0  }
0x1d: {  	s5 =	simm.s32 @p1 $0x1;
	p0 =	seq.s32 s7, s2  }
0x1e: {  	s7 =	smul.u32 @!p0 $0xF7A, s2;
	p2 =	seq.s32 @!p0 s5, $0x0  }
0x1f: {  	s9 =	smul.u32 $0xF7A, s1;
	s8 =	simm.s32 @!p0 $0x1BF5;
	p2 =	por !p2, p0  }
0x20: {  	[sflag:s8] =	ssyncset.s32 @!p0 $0xFFFFF086;
	s6 =	sadd.s32 @!p0 s3, s7;
	s7 =	simm.s32 @!p0 $0x108  }
0x21: {  	s3 =	sadd.s32 s3, s9;
	s6 =	sadd.s32 @!p0 $0x88, s6;
	s7 =	simm.s32 @p2 $0x1082  }
0x22: {  	[simem:s7], [sflag:s8] =	dma.local @!p0 [hbm:s6], $0xF7A  }
0x23: {  	s9 =	sor.u32 $0xD0000000, s2;
	s6 =	simm.s32 $0x108;
	_ =	swait.ge @!p0 [sflag:s8], $0x0  }
0x24: {  	s3 =	sadd.s32 $0x88, s3;
	s6 =	simm.s32 @!p1 $0x1082;
	[sflag:s4] =	ssyncset.s32 $0xFFFFF086  }
0x25: {  	[simem:s6], [sflag:s4] =	dma.local [hbm:s3], $0xF7A  }
0x26: {  	[smem:$0x3F9B] =	sst s1;
	(tag) =	ssettag s2;
	_ =	strace s9  }
0x27: {  	s1 =	sld [smem:$0x3FAB]  }
0x28: {  	s2 =	sld [smem:$0x3FAC]  }
0x29: {  	s4 =	sld [smem:$0x3FAE]  }
0x2a: {  	p0 =	seq.s32 s5, $0x0;
	s5 =	sld [smem:$0x3FAF]  }
0x2b: {  	s6 =	sld [smem:$0x3FB0]  }
0x2c: {  	s7 =	sld [smem:$0x3FB1]  }
0x2d: {  	s3 =	simm.s32 $0x108;
	s8 =	sld [smem:$0x3FB2]  }
0x2e: {  	s3 =	simm.s32 @!p0 $0x1082;
	s9 =	sld [smem:$0x3FB3]  }
0x2f: {  	lr =	sadd.s32 s0, s3;
	s0 =	sld [smem:$0x3FAA]  }
0x30: {  	s3 =	sld [smem:$0x3FAD]  }
0x31: {  	[smem:$0x3FB6] =	sst s10  }
0x32: {  	s10 =	sld [smem:$0x3FB4];
	_ =	sdelay $0x3  }
0x33: {  	p0 =	seq.s32 s10, $0x1;
	s10 =	sld [smem:$0x3FB6];
	_ =	sdelay $0x3  }
0x34: {  	[smem:$0x3FB6] =	sst s10  }
0x35: {  	s10 =	sld [smem:$0x3FB5];
	_ =	sdelay $0x3  }
0x36: {  	p1 =	seq.s32 s10, $0x1;
	s10 =	sld [smem:$0x3FB6];
	_ =	sdelay $0x3  }
0x37: {  	[smem:$0x3FB6] =	sst s10  }
0x38: {  	s10 =	sld [smem:$0x3FB7]  }
0x39: {  	_ = 	snop;
	(pc) =	sbr.ind lr, $3  }
0x3a: {  	_ = 	snop  }
0x3b: {  	_ = 	snop  }
0x3c: {  	p2 =	seq.s32 s10, $0x1;
	s10 =	sld [smem:$0x3FB6]  }
0x3d: {  	_ =	shalt  }
0x3e: {  	_ =	shalt  }
0x3f: {  	_ =	shalt  }
0x40: {  	_ =	shalt  }
0x41: {  	_ =	shalt  }
0x42: {  	_ =	shalt  }
0x43: {  	_ =	shalt  }
0x44: {  	_ =	shalt  }
0x45: {  	_ =	shalt  }
0x46: {  	_ =	shalt  }
0x47: {  	_ =	shalt  }
0x48: {  	_ =	shalt  }
0x49: {  	_ =	shalt  }
0x4a: {  	_ =	shalt  }
0x4b: {  	_ =	shalt  }
0x4c: {  	_ =	shalt  }
0x4d: {  	_ =	shalt  }
0x4e: {  	_ =	shalt  }
0x4f: {  	_ =	shalt  }
0x50: {  	_ =	shalt  }
0x51: {  	_ =	shalt  }
0x52: {  	_ =	shalt  }
0x53: {  	_ =	shalt  }
0x54: {  	_ =	shalt  }
0x55: {  	_ =	shalt  }
0x56: {  	_ =	shalt  }
0x57: {  	_ =	shalt  }
0x58: {  	_ =	shalt  }
0x59: {  	_ =	shalt  }
0x5a: {  	_ =	shalt  }
0x5b: {  	_ =	shalt  }
0x5c: {  	_ =	shalt  }
0x5d: {  	_ =	shalt  }
0x5e: {  	_ =	shalt  }
0x5f: {  	_ =	shalt  }
0x60: {  	_ =	shalt  }
0x61: {  	_ =	shalt  }
0x62: {  	_ =	shalt  }
0x63: {  	_ =	shalt  }
0x64: {  	_ =	shalt  }
0x65: {  	_ =	shalt  }
0x66: {  	_ =	shalt  }
0x67: {  	_ =	shalt  }
0x68: {  	_ =	shalt  }
0x69: {  	_ =	shalt  }
0x6a: {  	_ =	shalt  }
0x6b: {  	_ =	shalt  }
0x6c: {  	_ =	shalt  }
0x6d: {  	_ =	shalt  }
0x6e: {  	_ =	shalt  }
0x6f: {  	_ =	shalt  }
0x70: {  	_ =	shalt  }
0x71: {  	_ =	shalt  }
0x72: {  	_ =	shalt  }
0x73: {  	_ =	shalt  }
0x74: {  	_ =	shalt  }
0x75: {  	_ =	shalt  }
0x76: {  	_ =	shalt  }
0x77: {  	_ =	shalt  }
0x78: {  	_ =	shalt  }
0x79: {  	_ =	shalt  }
0x7a: {  	_ =	shalt  }
0x7b: {  	_ =	shalt  }
0x7c: {  	_ =	shalt  }
0x7d: {  	_ =	shalt  }
0x7e: {  	_ =	shalt  }
0x7f: {  	_ =	shalt  }
0x80: {  	_ =	shalt  }
0x81: {  	_ =	shalt  }
0x82: {  	_ =	shalt  }
0x83: {  	_ =	shalt  }
0x84: {  	_ =	shalt  }
0x85: {  	_ =	shalt  }
0x86: {  	_ =	shalt  }
0x87: {  	_ =	shalt  }
.Lfunc_end0:
.L_simem_size_0:
called_computation_lowered:
.L_overlay_start_0:
0x88: {  	s2 =	sld [smem:$0x3FD9]  }
0x89: {  	s3 =	sld [smem:$0x3FFE];
	_ =	sdelay $0x1  }
0x8a: {  	s1 =	srdreg.scid  }
0x8b: {  	s0 =	sand.u32 $0x1, s1  }
0x8c: {  	s17 =	sshll.u32 s0, $0xA;
	s2 =	sadd.s32 s3, s2  }
0x8d: {  	s2 =	sadd.s32 s2, s17  }
0x8e: {  	[smem:$0x3FC2] =	sst s2  }
0x8f: {  	_ = 	snop  }
0x90: {  	s2 =	sld [smem:$0x3FD0];
	(tm) =	ssettm $0x1  }
0x91: {  	s18 =	sld [smem:$0x3FFB];
	_ =	sdelay $0x3  }
0x92: {  	_ =	strace s18  }
0x93: {  	s3 =	sld [smem:$0x3FFC];
	_ =	sdelay $0x3  }
0x94: {  	_ =	strace s3  }
0x95: {  	s3 =	sld [smem:$0x3FFD];
	_ =	sdelay $0x3  }
0x96: {  	_ =	strace s3  }
0x97: {  	_ =	strace $0x8FFFFFFF  }
0x98: {  	s19 =	sld [smem:$0x3FDB];
	_ =	sdelay $0x1  }
0x99: {  	s4 =	simm.s32 $_scs_section_size  }
0x9a: {  	s5 =	simm.s32 $_size__tile_overlayer_lowered;
	s6 =	simm.s32 $_tile_overlayer_lowered  }
0x9b: {  	s22 =	simm.s32 $0x1BFF;
	s21 =	sshll.u32 s6, $0x1;
	s3 =	sadd.s32 s4, s19  }
0x9c: {  	s7 =	simm.s32 $0x0;
	s20 =	sshll.u32 s5, $0x1;
	s5 =	sadd.s32 s21, s3  }
0x9d: {  	[timem:s7], [sflag:s22] =	dma.local [hbm:s5], s20  }
0x9e: {  	_ =	swait.ge [sflag:s22], s20  }
0x9f: {  	s4 =	ssub.s32 $0x0, s20;
	[sflag:s22] =	ssyncset.done $0x0  }
0xa0: {  	[sflag:s22] =	ssyncadd.s32 s4;
	_ =	sdelay $0x1  }
0xa1: {  	s23 =	simm.s32 $0x1B8B  }
0xa2: {  	_ =	swait.ge [sflag:s23], $0x1  }
0xa3: {  	[sflag:s23] =	ssyncset.done $0x0  }
0xa4: {  	s25 =	simm.s32 $0x1B8E;
	s24 =	sld [smem:$0x3FFE];
	[sflag:s23] =	ssyncadd.s32 $0xFFFFFFFF  }
0xa5: {  	s26 =	simm.s32 $execute0_lowered;
	[smem:$0x3FD2] =	sst s25  }
0xa6: {  	s5 =	sshll.u32 s26, $0x1;
	_ =	strace $0x80000046;
	[dreg:$0x1] =	wrdreg $0xFFFFFFFF  }
0xa7: {  	s28 =	simm.s32 $_size_execute0_lowered;
	s3 =	sadd.s32 s3, s5;
	[dreg:$0x0] =	wrdreg $0x0  }
0xa8: {  	s5 =	sshll.u32 s28, $0x1;
	[dreg:$0x2] =	wrdreg s3  }
0xa9: {  	[dreg:$0x3] =	wrdreg s5  }
0xaa: {  	[dreg:$0x4] =	wrdreg $0xC0  }
0xab: {  	_ =	task [dreg:s7], $0x5FFFF  }
0xac: {  	[dreg:$0x1] =	wrdreg $0xFFFFFFFF  }
0xad: {  	[dreg:$0x0] =	wrdreg $0x60  }
0xae: {  	[dreg:$0x2] =	wrdreg s24  }
0xaf: {  	[dreg:$0x3] =	wrdreg s2  }
0xb0: {  	[dreg:$0x4] =	wrdreg $0x2C000  }
0xb1: {  	[dreg:$0x5] =	wrdreg $0x9  }
0xb2: {  	_ =	task.clear_ibuf [dreg:s7], $0x6FFFF;
	_ =	strace $0x90000046  }
0xb3: {  	s29 =	simm.s32 $0x9;
	_ =	strace $0x80000048  }
0xb4: {  	_ =	swait.ge [sflag:s29], $0x1  }
0xb5: {  	[sflag:s29] =	ssyncadd.s32 $0xFFFFFFFF  }
0xb6: {  	_ =	strace $0x90000048  }
0xb7: {  	_ =	sfence  }
0xb8: {  	s30 =	sld [smem:$0x0];
	_ =	sdelay $0x2  }
0xb9: {  	s31 =	sshll.u32 s1, $0xD;
	s1 =	sshrl.u32 s1, $0x2  }
0xba: {  	s3 =	sand.u32 $0x4000, s31;
	s1 =	sadd.s32 s1, s30  }
0xbb: {  	s0 =	sor.u32 s3, s0;
	s1 =	sshll.u32 s1, $0x11  }
0xbc: {  	s0 =	sor.u32 s1, s0  }
0xbd: {  	s0 =	sadd.s32 $0x8F2B, s0  }
0xbe: {  	[sflag:s0] =	ssyncadd.remote.s32 $0x1  }
0xbf: {  	_ =	sfence.sel $0xFFFF  }
0xc0: {  	[dreg:$0x0] =	wrdreg $0xFFFFFFFF;
	(pc) =	sbr.abs _section_cstart, $3  }
0xc1: {  	[dreg:$0x1] =	wrdreg $0xFFFFFFFF  }
0xc2: {  	_ =	task.clear_ibuf [dreg:s7], $0x2FFFF;
	_ =	strace $0x9FFFFFFF  }
0xc3: {  	(tm) =	ssettm $0x7FFFFFFF  }
tec
execute0_lowered:
.L_overlay_start_1:
0x0: {  	(tag) =	ssettag $0x1  }
0x1: {  	s6 =	rddreg [dreg:$0x0]  }
0x2: {  	s1 =	rddreg [dreg:$0x1]  }
0x3: {  	s2 =	rddreg [dreg:$0x2]  }
0x4: {  	s3 =	srdreg.scid;
	s0 =	rddreg [dreg:$0x3];
	s4 =	simm.s32 $0x0  }
0x5: {  	s13 =	simm.s32 $0x80;
	s14 =	simm.s32 $0x1;
	s15 =	simm.s32 $0x10  }
0x6: {  	s16 =	simm.s32 $0x0;
	s7 =	sand.u32 $0x1, s3;
	s3 =	stileid.u32  }
0x7: {  	[smem:$0x7FF] =	sst s4;
	s5 =	sadd.s32 $0x16400, s6;
	s8 =	smul.u32 $0x139000, s7  }
0x8: {  	s9 =	smul.u32 $0x13900, s3;
	s10 =	sshll.u32 s3, $0x1;
	_ =	strace $0x80000047  }
0x9: {  	s11 =	smul.u32 $0x4E40, s3;
	s31 =	sshll.u32 s3, $0x6;
	s10 =	sor.u32 s7, s10  }
0xa: {  	s7 =	ssub.s32 $0x2, s7;
	s8 =	sadd.s32 s9, s8;
	s26 =	smul.u32 $0x2800, s10  }
0xb: {  	s28 =	sshrl.u32 s7, $0x1;
	s30 =	sshrl.u32 s11, $0x2;
	s11 =	simm.s32 $0x2  }
0xc: {  	s8 =	sshrl.u32 s8, $0x3;
	s10 =	ssub.s32 s7, s28;
	s12 =	sadd.s32 s30, s2  }
0xd: {  	s8 =	sadd.s32 s8, s6;
	s29 =	sshrl.u32 s26, $0x3;
	s9 =	smax.u32 s10, $0x1  }
0xe: {  	s10 =	sshrl.u32 s12, $0x3;
	s12 =	simm.s32 $0x2800;
	s7 =	sadd.s32 s6, s29  }
0xf: {  	s6 =	sor.u32 $0x1C02, s31;
	s8 =	sadd.s32 $0x16600, s8;
	s7 =	sadd.s32 $0xC400, s7  }
.LBB2_1:
0x10: {  	[spmem:s10], [sflag:s6] =	dma.local [hbm:s1], $0x272  }
0x11: {  	_ =	swait.ge [sflag:s11], $0x272  }
0x12: {  	[sflag:s11] =	ssyncset.done $0x0  }
0x13: {  	[sflag:s11] =	ssyncadd.s32 $0xFFFFFD8E  }
0x14: {  	[tilespmem:s12], [sflag:$0x2] =	stream.linear.gather [hbm4b:s5+s4], $0x400, $0x38;
	[tilespmem:$0x3F90] =	vst v63  }
0x15: {  	_ =	swait.ge [sflag:s11], $0x400  }
0x16: {  	[sflag:s11] =	ssyncset.done $0x0  }
0x17: {  	[sflag:s11] =	ssyncadd.s32 $0xFFFFFC00  }
0x18: {  	[tilespmem:s4], [sflag:$0x2] =	stream.linear.gather [hbm4b:s7+s4], $0x2800, $0x38;
	[tilespmem:$0x3F90] =	vst v63  }
0x19: {  	_ =	swait.ge [sflag:s11], $0x2800  }
0x1a: {  	[sflag:s11] =	ssyncset.done $0x0  }
0x1b: {  	[sflag:s11] =	ssyncadd.s32 $0xFFFFD800  }
0x1c: {  	s17 =	simm.s32 $0x0;
	[bflag:$0x0] =	sbarrier.arrive $0xFFFF  }
.LBB2_2:
0x1d: {  	p0 =	sne.s32 s17, $0x9E00  }
.Ltmp0:
0x1e: {  	_ = 	snop;
	(pc) =	sbr.rel @p0 .LBB2_2-.Ltmp0, $3  }
0x1f: {  	_ =	sdelay $0x1  }
0x20: {  	s18 =	sshra.s32 s17, $0x2;
	s17 =	sadd.s32 $0x200, s17  }
0x21: {  	[spmem:s2] =	stream.indirect.scatter.add.f32 [tilespmem:s12], [sflag:$0x1], $0x8, s18, s13, $0xb8;
	[tilespmem:$0x3F90] =	vst v63  }
0x22: {  	_ =	swait.ge [sflag:s14], $0x400  }
0x23: {  	s17 =	simm.s32 $0x4F;
	[sflag:s14] =	ssyncset.done $0x0  }
.LBB2_4:
0x24: {  	p0 =	sne.s32 s17, $0x1;
	s17 =	sadd.s32 $0xFFFFFFFF, s17;
	[sflag:s14] =	ssyncadd.s32 $0xFFFFFC00  }
.Ltmp1:
0x25: {  	(pc) =	sbr.rel @p0 .LBB2_4-.Ltmp1, $3  }
0x26: {  	_ =	sdelay $0x1  }
0x27: {  	_ =	swait.ge [sflag:s14], $0x400  }
0x28: {  	[sflag:s14] =	ssyncset.done $0x0  }
0x29: {  	s16 =	sadd.s32 $0x1, s16  }
0x2a: {  	[sflag:s14] =	ssyncadd.s32 $0xFFFFFC00;
	p0 =	sne.s32 s16, s9  }
.Ltmp2:
0x2b: {  	[bflag:$0x0] =	sbarrier.arrive $0xFFFF;
	(pc) =	sbr.rel @p0 .LBB2_1-.Ltmp2, $4  }
0x2c: {  	[hbm:s8@s15], [sflag:s6] =	dma.strided [spmem:s10@s14], $0x272, s14, $0x1   }
0x2d: {  	_ =	swait.ge [sflag:s11], $0x272  }
0x2e: {  	[sflag:s11] =	ssyncset.done $0x0  }
0x2f: {  	[sflag:s11] =	ssyncadd.s32 $0xFFFFFD8E  }
0x30: {  	_ =	sfence.sel $0x180000  }
0x31: {  	[bflag:$0x0] =	sbarrier.arrive $0xFFFF  }
0x32: {  	p0 =	sne.s32 s3, $0x0;
	_ =	strace $0x90000047  }
0x33: {  	s0 =	sadd.s32 @!p0 $0x100000, s0;
	[bflag:$0x2] =	sbarrier.arrive $0xFFFF  }
0x34: {  	[sflag:s0] =	ssyncadd.tile.s32 @!p0 $0x1;
	_ =	shalt  }
.Lfunc_end2:
_tile_overlayer_lowered:
.L_overlay_start_2:
0x35: {  	(tag) =	ssettag $0x2  }
0x36: {  	s0 =	rddreg [dreg:$0x0];
	s2 =	stileid.u32  }
0x37: {  	s1 =	rddreg [dreg:$0x1];
	p0 =	sne.s32 s2, $0x0  }
0x38: {  	s3 =	rddreg [dreg:$0x2];
	[bflag:$0x3] =	sbarrier.arrive $0xFFFF;
	s2 =	simm.s32 @!p0 $0x1C02  }
0x39: {  	[timem:s3], [sflag:s2] =	dma.local @!p0 [hbm:s0], s1  }
0x3a: {  	s0 =	simm.s32 @!p0 $0x2  }
0x3b: {  	_ =	swait.ge @!p0 [sflag:s0], s1  }
0x3c: {  	s1 =	ssub.s32 @!p0 $0x0, s1;
	[sflag:s0] =	ssyncset.done @!p0 $0x0  }
0x3d: {  	[sflag:s0] =	ssyncadd.s32 @!p0 s1  }
0x3e: {  	[bflag:$0x3] =	sbarrier.arrive $0xFFFF  }
0x3f: {  	_ =	shalt  }

</sc_bundles>
